<compile_context>
chip_gen: v7x
topology: tpu7x:2x2x1
jax: 0.10.2.dev20260603
libtpu: 0.0.44.dev20260713+nightly
codegen_flags: <defaults>
</compile_context>

<pallas_src>
import jax
import jax.numpy as jnp
from jax import lax
from jax.experimental import pallas as pl
from jax.experimental.pallas import tpu as pltpu
from jax.experimental.pallas import tpu_sc as plsc

VOCAB = 100000
EMBED = 64
CPW = 50
L = 16

_info = plsc.get_sparse_core_info()
_NC = _info.num_cores


def _extract_col64(emb_ref, lane_vec, out_row_ref):
    iota = lax.iota(jnp.int32, L)
    for k in range(4):
        out_row_ref[pl.ds(k * L, L)] = plsc.load_gather(
            emb_ref, [iota + k * L, lane_vec])


def _body(ent_hbm, w2c_t, wemb_t, cemb_t,
          out_l, out_r, out_cl, out_cr,
          ent_v, widx_v, emb_v, blk64_v, sem, sem2):
    wid = lax.axis_index("s") * _NC + lax.axis_index("c")
    side = wid & 1
    tp = wid >> 1

    pltpu.sync_copy(ent_hbm, ent_v.at[pl.ds(0, 4)])
    iota = lax.iota(jnp.int32, L)
    ent_vec = ent_v[...]
    zeros = jnp.zeros((L,), jnp.int32)

    @pl.when(tp <= 6)
    def _cand():
        e = jnp.sum(jnp.where(iota == side, ent_vec, 0))
        c0w = pl.multiple_of((e >> 7) << 7, 128)
        lw = zeros + (e & 127)
        row_start = pl.multiple_of(8 * tp, 8)
        pltpu.sync_copy(
            w2c_t.at[pl.ds(row_start, 8), pl.ds(c0w, 128)], widx_v)
        lanes = []
        copies = []
        for i in range(8):
            idv = plsc.load_gather(widx_v.at[i], [lw])
            rid = jnp.sum(jnp.where(iota == 0, idv, 0))
            rid = jnp.clip(rid, 0, VOCAB - 1)
            c0 = pl.multiple_of((rid >> 7) << 7, 128)
            lanes.append(zeros + (rid & 127))
            copies.append(pltpu.async_copy(
                cemb_t.at[:, pl.ds(c0, 128)], emb_v.at[i], sem))
        for i in range(8):
            copies[i].wait()
            _extract_col64(emb_v.at[i], lanes[i], blk64_v.at[i])
        out_start = pl.multiple_of(8 * tp, 8)

        @pl.when(side == 0)
        def _():
            pltpu.sync_copy(blk64_v, out_cl.at[pl.ds(out_start, 8), :])

        @pl.when(side == 1)
        def _():
            pltpu.sync_copy(blk64_v, out_cr.at[pl.ds(out_start, 8), :])

    @pl.when(tp == 15)
    def _word():
        e = jnp.sum(jnp.where(iota == 2 + side, ent_vec, 0))
        c0 = pl.multiple_of((e >> 7) << 7, 128)
        lw = zeros + (e & 127)
        pltpu.async_copy(wemb_t.at[:, pl.ds(c0, 128)], emb_v.at[0],
                         sem2).wait()
        _extract_col64(emb_v.at[0], lw, blk64_v.at[0])

        @pl.when(side == 0)
        def _():
            pltpu.sync_copy(blk64_v.at[pl.ds(0, 1), :], out_l)

        @pl.when(side == 1)
        def _():
            pltpu.sync_copy(blk64_v.at[pl.ds(0, 1), :], out_r)


_sc_call = pl.kernel(
    _body,
    out_type=(
        jax.ShapeDtypeStruct((1, EMBED), jnp.float32),
        jax.ShapeDtypeStruct((1, EMBED), jnp.float32),
        jax.ShapeDtypeStruct((CPW, EMBED), jnp.float32),
        jax.ShapeDtypeStruct((CPW, EMBED), jnp.float32),
    ),
    mesh=plsc.VectorSubcoreMesh(core_axis_name="c", subcore_axis_name="s"),
    compiler_params=pltpu.CompilerParams(use_tc_tiling_on_sc=True,
                                         needs_layout_passes=False,
                                         disable_bounds_checks=True,
                                         disable_semaphore_checks=True),
    scratch_types=[
        pltpu.VMEM((L,), jnp.int32),
        pltpu.VMEM((8, 128), jnp.int32),
        pltpu.VMEM((8, 64, 128), jnp.float32),
        pltpu.VMEM((8, EMBED), jnp.float32),
        pltpu.SemaphoreType.DMA,
        pltpu.SemaphoreType.DMA,
    ],
)


def kernel(entity, word2candidates, word_embeds, candidate_embeds):
    return _sc_call(
        entity, word2candidates.T, word_embeds.T, candidate_embeds.T)

# --- scband reference (transcript-rebuilt; emitter-appended) ---
"""Pipeline reference for scband-words2embed-47837345743360 (READ-ONLY COPY).

The authoritative reference and input builder live on the scoring server;
editing this copy changes nothing except your own understanding.
"""

import jax, jax.numpy as jnp
import numpy as np

VOCAB = 100000
CAND_VOCAB = 100000
EMBED = 64
CPW = 50  # candidates per word (word2candidates row length)


def setup_inputs(seed: int = 0) -> dict:
    key = jax.random.key(seed)
    k1, k2, k3, k4 = jax.random.split(key, 4)
    entity = jax.random.randint(k1, (4,), 0, VOCAB, dtype=jnp.int32)
    # word2candidates mapping: each word id maps to CPW candidate ids (stand-in for wc.word2candidates)
    word2candidates = jax.random.randint(k2, (VOCAB, CPW), 0, CAND_VOCAB, dtype=jnp.int32)
    word_embeds = jax.random.normal(k3, (VOCAB, EMBED), dtype=jnp.float32)
    candidate_embeds = jax.random.normal(k4, (CAND_VOCAB, EMBED), dtype=jnp.float32)
    return {
        "entity": entity,
        "word2candidates": word2candidates,
        "word_embeds": word_embeds,
        "candidate_embeds": candidate_embeds,
    }


def reference(entity, word2candidates, word_embeds, candidate_embeds):
    # get_candidates_4_word: look up candidate id list for left/right word ids
    input_candidates_l = jnp.take(word2candidates, entity[0], axis=0)  # [CPW]
    input_candidates_r = jnp.take(word2candidates, entity[1], axis=0)  # [CPW]
    # tf.nn.embedding_lookup equivalents
    embed_candidates_r = jnp.take(candidate_embeds, input_candidates_r, axis=0)  # [CPW, EMBED]
    embed_candidates_l = jnp.take(candidate_embeds, input_candidates_l, axis=0)  # [CPW, EMBED]
    input_l = entity[2:3]  # np.array([embeds_word_l_id])
    input_r = entity[3:4]
    embed_word_l = jnp.take(word_embeds, input_l, axis=0)  # [1, EMBED]
    embed_word_r = jnp.take(word_embeds, input_r, axis=0)  # [1, EMBED]
    return (embed_word_l, embed_word_r, embed_candidates_l, embed_candidates_r)

if __name__ == "__main__":
    import jax
    _d = setup_inputs()
    print(jax.jit(kernel)(*tuple(_d.values())))

</pallas_src>

<mosaic_0001>
#map = affine_map<(d0, d1) -> (0)>
#map1 = affine_map<(d0, d1) -> (0, 0)>
module attributes {stable_mosaic.version = 14 : i64} {
  func.func @_body(%arg0: i32, %arg1: i32, %arg2: memref<4xi32, #tpu.memory_space<hbm>>, %arg3: memref<50x100000xi32, #tpu.memory_space<hbm>>, %arg4: memref<64x100000xf32, #tpu.memory_space<hbm>>, %arg5: memref<64x100000xf32, #tpu.memory_space<hbm>>, %arg6: memref<1x64xf32, #tpu.memory_space<hbm>>, %arg7: memref<1x64xf32, #tpu.memory_space<hbm>>, %arg8: memref<50x64xf32, #tpu.memory_space<hbm>>, %arg9: memref<50x64xf32, #tpu.memory_space<hbm>>, %arg10: memref<16xi32, #tpu.memory_space<vmem>>, %arg11: memref<8x128xi32, #tpu.memory_space<vmem>>, %arg12: memref<8x64x128xf32, #tpu.memory_space<vmem>>, %arg13: memref<8x64xf32, #tpu.memory_space<vmem>>, %arg14: memref<!tpu.dma_semaphore, #tpu.memory_space<semaphore_mem>>, %arg15: memref<!tpu.dma_semaphore, #tpu.memory_space<semaphore_mem>>) attributes {dimension_semantics = [#tpu.dimension_semantics<core_parallel>, #tpu.dimension_semantics<subcore_parallel>], iteration_bounds = array<i64: 2, 16>, scalar_prefetch = 0 : i64, scratch_operands = 6 : i64, tpu.core_type = #tpu.core_type<sc_vector_subcore>, window_params = [{transform_indices = #map}, {transform_indices = #map1}, {transform_indices = #map1}, {transform_indices = #map1}, {transform_indices = #map1}, {transform_indices = #map1}, {transform_indices = #map1}, {transform_indices = #map1}]} {
    %mul3A = arith.constant 2 : i32
    %mul3A_0 = arith.muli %arg1, %mul3A : i32
    %add3A = arith.addi %mul3A_0, %arg0 : i32
    %and3A = arith.constant 1 : i32
    %and3A_1 = arith.andi %add3A, %and3A : i32
    %shift_right_arithmetic3A = arith.constant 1 : i32
    %shift_right_arithmetic3A_2 = arith.shrsi %add3A, %shift_right_arithmetic3A : i32
    "tpu.region"() ({
      %run_scoped3A = tpu.sem_alloc : memref<!tpu.dma_semaphore, #tpu.memory_space<semaphore_mem>>
      %dma_start3A = arith.constant 0 : i32
      %dma_start3A_11 = tpu.memref_slice %arg10[%dma_start3A] : memref<16xi32, #tpu.memory_space<vmem>> -> memref<4xi32, #tpu.memory_space<vmem>>
      %dma_start3A_12 = arith.constant 0 : i32
      %dma_start3A_13 = tpu.memref_slice %arg10[%dma_start3A_12] : memref<16xi32, #tpu.memory_space<vmem>> -> memref<4xi32, #tpu.memory_space<vmem>>
      tpu.enqueue_dma source(%arg2 : memref<4xi32, #tpu.memory_space<hbm>>) target(%dma_start3A_13 : memref<4xi32, #tpu.memory_space<vmem>>) target_semaphore(%run_scoped3A : memref<!tpu.dma_semaphore, #tpu.memory_space<semaphore_mem>>)
      %dma_wait3A = arith.constant 0 : i32
      %dma_wait3A_14 = tpu.memref_slice %arg10[%dma_wait3A] : memref<16xi32, #tpu.memory_space<vmem>> -> memref<4xi32, #tpu.memory_space<vmem>>
      %dma_wait3A_15 = arith.constant 0 : i32
      %dma_wait3A_16 = tpu.memref_slice %arg10[%dma_wait3A_15] : memref<16xi32, #tpu.memory_space<vmem>> -> memref<4xi32, #tpu.memory_space<vmem>>
      tpu.wait_dma2 semaphore(%run_scoped3A : memref<!tpu.dma_semaphore, #tpu.memory_space<semaphore_mem>>) src(%arg2 : memref<4xi32, #tpu.memory_space<hbm>>) dst(%dma_wait3A_16 : memref<4xi32, #tpu.memory_space<vmem>>)
      tpu.yield
    }) : () -> ()
    %iota3A = tpu.iota {dimensions = array<i32: 0>} : vector<16xi32>
    %get3A = arith.constant 0 : index
    %get3A_3 = tpu.vector_load %arg10[%get3A] {strides = array<i32>} : memref<16xi32, #tpu.memory_space<vmem>>, vector<16xi32>,
    %broadcast_in_dim3A = arith.constant 0 : i32
    %broadcast_in_dim3A_4 = vector.broadcast %broadcast_in_dim3A : i32 to vector<16xi32>
    %le3A = arith.constant 6 : i32
    %le3A_5 = arith.cmpi sle, %shift_right_arithmetic3A_2, %le3A : i32
    %convert_element_type3A = arith.extui %le3A_5 : i1 to i32
    %cond3A = arith.constant 0 : i32
    %cond3A_6 = arith.cmpi ne, %convert_element_type3A, %cond3A : i32
    scf.if %cond3A_6 {
      %eq3A_11 = vector.broadcast %and3A_1 : i32 to vector<16xi32>
      %eq3A_12 = arith.cmpi eq, %iota3A, %eq3A_11 : vector<16xi32>
      %jit3A = arith.constant 0 : i32
      %broadcast_in_dim3A_13 = vector.broadcast %jit3A : i32 to vector<16xi32>
      %select_n3A = arith.select %eq3A_12, %get3A_3, %broadcast_in_dim3A_13 : vector<16xi1>, vector<16xi32>
      %reduce_sum3A = arith.constant true
      %reduce_sum3A_14 = vector.broadcast %reduce_sum3A : i1 to vector<16xi1>
      %reduce_sum3A_15 = tpu.scan <sum>, %select_n3A masked %reduce_sum3A_14 : vector<16xi32>, vector<16xi1> -> vector<16xi32>
      %reduce_sum3A_16 = vector.extract %reduce_sum3A_15[15] : i32 from vector<16xi32>
      %shift_right_arithmetic3A_17 = arith.constant 7 : i32
      %shift_right_arithmetic3A_18 = arith.shrsi %reduce_sum3A_16, %shift_right_arithmetic3A_17 : i32
      %shift_left3A = arith.constant 7 : i32
      %shift_left3A_19 = arith.shli %shift_right_arithmetic3A_18, %shift_left3A : i32
      %multiple_of3A = tpu.assume_multiple %shift_left3A_19, 128 : i32
      %and3A_20 = arith.constant 127 : i32
      %and3A_21 = arith.andi %reduce_sum3A_16, %and3A_20 : i32
      %add3A_22 = vector.broadcast %and3A_21 : i32 to vector<16xi32>
      %add3A_23 = arith.addi %broadcast_in_dim3A_4, %add3A_22 : vector<16xi32>
      %mul3A_24 = arith.constant 8 : i32
      %mul3A_25 = arith.muli %mul3A_24, %shift_right_arithmetic3A_2 : i32
      %multiple_of3A_26 = tpu.assume_multiple %mul3A_25, 8 : i32
      "tpu.region"() ({
        %run_scoped3A = tpu.sem_alloc : memref<!tpu.dma_semaphore, #tpu.memory_space<semaphore_mem>>
        %dma_start3A_954 = tpu.memref_slice %arg3[%multiple_of3A_26, %multiple_of3A] : memref<50x100000xi32, #tpu.memory_space<hbm>> -> memref<8x128xi32, #tpu.memory_space<hbm>>
        %dma_start3A_955 = tpu.memref_slice %arg3[%multiple_of3A_26, %multiple_of3A] : memref<50x100000xi32, #tpu.memory_space<hbm>> -> memref<8x128xi32, #tpu.memory_space<hbm>>
        tpu.enqueue_dma source(%dma_start3A_955 : memref<8x128xi32, #tpu.memory_space<hbm>>) target(%arg11 : memref<8x128xi32, #tpu.memory_space<vmem>>) target_semaphore(%run_scoped3A : memref<!tpu.dma_semaphore, #tpu.memory_space<semaphore_mem>>)
        %dma_wait3A_956 = tpu.memref_slice %arg3[%multiple_of3A_26, %multiple_of3A] : memref<50x100000xi32, #tpu.memory_space<hbm>> -> memref<8x128xi32, #tpu.memory_space<hbm>>
        %dma_wait3A_957 = tpu.memref_slice %arg3[%multiple_of3A_26, %multiple_of3A] : memref<50x100000xi32, #tpu.memory_space<hbm>> -> memref<8x128xi32, #tpu.memory_space<hbm>>
        tpu.wait_dma2 semaphore(%run_scoped3A : memref<!tpu.dma_semaphore, #tpu.memory_space<semaphore_mem>>) src(%dma_wait3A_957 : memref<8x128xi32, #tpu.memory_space<hbm>>) dst(%arg11 : memref<8x128xi32, #tpu.memory_space<vmem>>)
        tpu.yield
      }) : () -> ()
      %gather3A = arith.constant 0 : i32
      %gather3A_27 = arith.constant 0 : i32
      %gather3A_28 = tpu.memref_slice %arg11[%gather3A, %gather3A_27] : memref<8x128xi32, #tpu.memory_space<vmem>> -> memref<1x128xi32, #tpu.memory_space<vmem>>
      %gather3A_29 = tpu.memref_squeeze %gather3A_28 : memref<1x128xi32, #tpu.memory_space<vmem>> -> memref<128xi32, #tpu.memory_space<vmem>>
      %gather3A_30 = tpu.vector_load_idx %gather3A_29[%add3A_23] : memref<128xi32, #tpu.memory_space<vmem>>[vector<16xi32>], vector<16xi32>,
      %eq3A_31 = arith.constant 0 : i32
      %eq3A_32 = vector.broadcast %eq3A_31 : i32 to vector<16xi32>
      %eq3A_33 = arith.cmpi eq, %iota3A, %eq3A_32 : vector<16xi32>
      %jit3A_34 = arith.constant 0 : i32
      %broadcast_in_dim3A_35 = vector.broadcast %jit3A_34 : i32 to vector<16xi32>
      %select_n3A_36 = arith.select %eq3A_33, %gather3A_30, %broadcast_in_dim3A_35 : vector<16xi1>, vector<16xi32>
      %reduce_sum3A_37 = arith.constant true
      %reduce_sum3A_38 = vector.broadcast %reduce_sum3A_37 : i1 to vector<16xi1>
      %reduce_sum3A_39 = tpu.scan <sum>, %select_n3A_36 masked %reduce_sum3A_38 : vector<16xi32>, vector<16xi1> -> vector<16xi32>
      %reduce_sum3A_40 = vector.extract %reduce_sum3A_39[15] : i32 from vector<16xi32>
      %jit3A_41 = arith.constant 0 : i32
      %jit3A_42 = arith.constant 99999 : i32
      %max3A = arith.maxsi %jit3A_41, %reduce_sum3A_40 : i32
      %min3A = arith.minsi %jit3A_42, %max3A : i32
      %shift_right_arithmetic3A_43 = arith.constant 7 : i32
      %shift_right_arithmetic3A_44 = arith.shrsi %min3A, %shift_right_arithmetic3A_43 : i32
      %shift_left3A_45 = arith.constant 7 : i32
      %shift_left3A_46 = arith.shli %shift_right_arithmetic3A_44, %shift_left3A_45 : i32
      %multiple_of3A_47 = tpu.assume_multiple %shift_left3A_46, 128 : i32
      %and3A_48 = arith.constant 127 : i32
      %and3A_49 = arith.andi %min3A, %and3A_48 : i32
      %add3A_50 = vector.broadcast %and3A_49 : i32 to vector<16xi32>
      %add3A_51 = arith.addi %broadcast_in_dim3A_4, %add3A_50 : vector<16xi32>
      %dma_start3A = arith.constant 0 : i32
      %dma_start3A_52 = arith.constant 0 : i32
      %dma_start3A_53 = arith.constant 0 : i32
      %dma_start3A_54 = tpu.memref_slice %arg12[%dma_start3A, %dma_start3A_52, %dma_start3A_53] : memref<8x64x128xf32, #tpu.memory_space<vmem>> -> memref<1x64x128xf32, #tpu.memory_space<vmem>>
      %dma_start3A_55 = tpu.memref_squeeze %dma_start3A_54 : memref<1x64x128xf32, #tpu.memory_space<vmem>> -> memref<64x128xf32, #tpu.memory_space<vmem>>
      %dma_start3A_56 = arith.constant 0 : i32
      %dma_start3A_57 = tpu.memref_slice %arg5[%dma_start3A_56, %multiple_of3A_47] : memref<64x100000xf32, #tpu.memory_space<hbm>> -> memref<64x128xf32, #tpu.memory_space<hbm>>
      %dma_start3A_58 = arith.constant 0 : i32
      %dma_start3A_59 = arith.constant 0 : i32
      %dma_start3A_60 = tpu.memref_slice %arg12[%dma_start3A, %dma_start3A_58, %dma_start3A_59] : memref<8x64x128xf32, #tpu.memory_space<vmem>> -> memref<1x64x128xf32, #tpu.memory_space<vmem>>
      %dma_start3A_61 = tpu.memref_squeeze %dma_start3A_60 : memref<1x64x128xf32, #tpu.memory_space<vmem>> -> memref<64x128xf32, #tpu.memory_space<vmem>>
      %dma_start3A_62 = arith.constant 0 : i32
      %dma_start3A_63 = tpu.memref_slice %arg5[%dma_start3A_62, %multiple_of3A_47] : memref<64x100000xf32, #tpu.memory_space<hbm>> -> memref<64x128xf32, #tpu.memory_space<hbm>>
      tpu.enqueue_dma source(%dma_start3A_63 : memref<64x128xf32, #tpu.memory_space<hbm>>) target(%dma_start3A_61 : memref<64x128xf32, #tpu.memory_space<vmem>>) target_semaphore(%arg14 : memref<!tpu.dma_semaphore, #tpu.memory_space<semaphore_mem>>)
      %gather3A_64 = arith.constant 1 : i32
      %gather3A_65 = arith.constant 0 : i32
      %gather3A_66 = tpu.memref_slice %arg11[%gather3A_64, %gather3A_65] : memref<8x128xi32, #tpu.memory_space<vmem>> -> memref<1x128xi32, #tpu.memory_space<vmem>>
      %gather3A_67 = tpu.memref_squeeze %gather3A_66 : memref<1x128xi32, #tpu.memory_space<vmem>> -> memref<128xi32, #tpu.memory_space<vmem>>
      %gather3A_68 = tpu.vector_load_idx %gather3A_67[%add3A_23] : memref<128xi32, #tpu.memory_space<vmem>>[vector<16xi32>], vector<16xi32>,
      %eq3A_69 = arith.constant 0 : i32
      %eq3A_70 = vector.broadcast %eq3A_69 : i32 to vector<16xi32>
      %eq3A_71 = arith.cmpi eq, %iota3A, %eq3A_70 : vector<16xi32>
      %jit3A_72 = arith.constant 0 : i32
      %broadcast_in_dim3A_73 = vector.broadcast %jit3A_72 : i32 to vector<16xi32>
      %select_n3A_74 = arith.select %eq3A_71, %gather3A_68, %broadcast_in_dim3A_73 : vector<16xi1>, vector<16xi32>
      %reduce_sum3A_75 = arith.constant true
      %reduce_sum3A_76 = vector.broadcast %reduce_sum3A_75 : i1 to vector<16xi1>
      %reduce_sum3A_77 = tpu.scan <sum>, %select_n3A_74 masked %reduce_sum3A_76 : vector<16xi32>, vector<16xi1> -> vector<16xi32>
      %reduce_sum3A_78 = vector.extract %reduce_sum3A_77[15] : i32 from vector<16xi32>
      %jit3A_79 = arith.constant 0 : i32
      %jit3A_80 = arith.constant 99999 : i32
      %max3A_81 = arith.maxsi %jit3A_79, %reduce_sum3A_78 : i32
      %min3A_82 = arith.minsi %jit3A_80, %max3A_81 : i32
      %shift_right_arithmetic3A_83 = arith.constant 7 : i32
      %shift_right_arithmetic3A_84 = arith.shrsi %min3A_82, %shift_right_arithmetic3A_83 : i32
      %shift_left3A_85 = arith.constant 7 : i32
      %shift_left3A_86 = arith.shli %shift_right_arithmetic3A_84, %shift_left3A_85 : i32
      %multiple_of3A_87 = tpu.assume_multiple %shift_left3A_86, 128 : i32
      %and3A_88 = arith.constant 127 : i32
      %and3A_89 = arith.andi %min3A_82, %and3A_88 : i32
      %add3A_90 = vector.broadcast %and3A_89 : i32 to vector<16xi32>
      %add3A_91 = arith.addi %broadcast_in_dim3A_4, %add3A_90 : vector<16xi32>
      %dma_start3A_92 = arith.constant 1 : i32
      %dma_start3A_93 = arith.constant 0 : i32
      %dma_start3A_94 = arith.constant 0 : i32
      %dma_start3A_95 = tpu.memref_slice %arg12[%dma_start3A_92, %dma_start3A_93, %dma_start3A_94] : memref<8x64x128xf32, #tpu.memory_space<vmem>> -> memref<1x64x128xf32, #tpu.memory_space<vmem>>
      %dma_start3A_96 = tpu.memref_squeeze %dma_start3A_95 : memref<1x64x128xf32, #tpu.memory_space<vmem>> -> memref<64x128xf32, #tpu.memory_space<vmem>>
      %dma_start3A_97 = arith.constant 0 : i32
      %dma_start3A_98 = tpu.memref_slice %arg5[%dma_start3A_97, %multiple_of3A_87] : memref<64x100000xf32, #tpu.memory_space<hbm>> -> memref<64x128xf32, #tpu.memory_space<hbm>>
      %dma_start3A_99 = arith.constant 0 : i32
      %dma_start3A_100 = arith.constant 0 : i32
      %dma_start3A_101 = tpu.memref_slice %arg12[%dma_start3A_92, %dma_start3A_99, %dma_start3A_100] : memref<8x64x128xf32, #tpu.memory_space<vmem>> -> memref<1x64x128xf32, #tpu.memory_space<vmem>>
      %dma_start3A_102 = tpu.memref_squeeze %dma_start3A_101 : memref<1x64x128xf32, #tpu.memory_space<vmem>> -> memref<64x128xf32, #tpu.memory_space<vmem>>
      %dma_start3A_103 = arith.constant 0 : i32
      %dma_start3A_104 = tpu.memref_slice %arg5[%dma_start3A_103, %multiple_of3A_87] : memref<64x100000xf32, #tpu.memory_space<hbm>> -> memref<64x128xf32, #tpu.memory_space<hbm>>
      tpu.enqueue_dma source(%dma_start3A_104 : memref<64x128xf32, #tpu.memory_space<hbm>>) target(%dma_start3A_102 : memref<64x128xf32, #tpu.memory_space<vmem>>) target_semaphore(%arg14 : memref<!tpu.dma_semaphore, #tpu.memory_space<semaphore_mem>>)
      %gather3A_105 = arith.constant 2 : i32
      %gather3A_106 = arith.constant 0 : i32
      %gather3A_107 = tpu.memref_slice %arg11[%gather3A_105, %gather3A_106] : memref<8x128xi32, #tpu.memory_space<vmem>> -> memref<1x128xi32, #tpu.memory_space<vmem>>
      %gather3A_108 = tpu.memref_squeeze %gather3A_107 : memref<1x128xi32, #tpu.memory_space<vmem>> -> memref<128xi32, #tpu.memory_space<vmem>>
      %gather3A_109 = tpu.vector_load_idx %gather3A_108[%add3A_23] : memref<128xi32, #tpu.memory_space<vmem>>[vector<16xi32>], vector<16xi32>,
      %eq3A_110 = arith.constant 0 : i32
      %eq3A_111 = vector.broadcast %eq3A_110 : i32 to vector<16xi32>
      %eq3A_112 = arith.cmpi eq, %iota3A, %eq3A_111 : vector<16xi32>
      %jit3A_113 = arith.constant 0 : i32
      %broadcast_in_dim3A_114 = vector.broadcast %jit3A_113 : i32 to vector<16xi32>
      %select_n3A_115 = arith.select %eq3A_112, %gather3A_109, %broadcast_in_dim3A_114 : vector<16xi1>, vector<16xi32>
      %reduce_sum3A_116 = arith.constant true
      %reduce_sum3A_117 = vector.broadcast %reduce_sum3A_116 : i1 to vector<16xi1>
      %reduce_sum3A_118 = tpu.scan <sum>, %select_n3A_115 masked %reduce_sum3A_117 : vector<16xi32>, vector<16xi1> -> vector<16xi32>
      %reduce_sum3A_119 = vector.extract %reduce_sum3A_118[15] : i32 from vector<16xi32>
      %jit3A_120 = arith.constant 0 : i32
      %jit3A_121 = arith.constant 99999 : i32
      %max3A_122 = arith.maxsi %jit3A_120, %reduce_sum3A_119 : i32
      %min3A_123 = arith.minsi %jit3A_121, %max3A_122 : i32
      %shift_right_arithmetic3A_124 = arith.constant 7 : i32
      %shift_right_arithmetic3A_125 = arith.shrsi %min3A_123, %shift_right_arithmetic3A_124 : i32
      %shift_left3A_126 = arith.constant 7 : i32
      %shift_left3A_127 = arith.shli %shift_right_arithmetic3A_125, %shift_left3A_126 : i32
      %multiple_of3A_128 = tpu.assume_multiple %shift_left3A_127, 128 : i32
      %and3A_129 = arith.constant 127 : i32
      %and3A_130 = arith.andi %min3A_123, %and3A_129 : i32
      %add3A_131 = vector.broadcast %and3A_130 : i32 to vector<16xi32>
      %add3A_132 = arith.addi %broadcast_in_dim3A_4, %add3A_131 : vector<16xi32>
      %dma_start3A_133 = arith.constant 2 : i32
      %dma_start3A_134 = arith.constant 0 : i32
      %dma_start3A_135 = arith.constant 0 : i32
      %dma_start3A_136 = tpu.memref_slice %arg12[%dma_start3A_133, %dma_start3A_134, %dma_start3A_135] : memref<8x64x128xf32, #tpu.memory_space<vmem>> -> memref<1x64x128xf32, #tpu.memory_space<vmem>>
      %dma_start3A_137 = tpu.memref_squeeze %dma_start3A_136 : memref<1x64x128xf32, #tpu.memory_space<vmem>> -> memref<64x128xf32, #tpu.memory_space<vmem>>
      %dma_start3A_138 = arith.constant 0 : i32
      %dma_start3A_139 = tpu.memref_slice %arg5[%dma_start3A_138, %multiple_of3A_128] : memref<64x100000xf32, #tpu.memory_space<hbm>> -> memref<64x128xf32, #tpu.memory_space<hbm>>
      %dma_start3A_140 = arith.constant 0 : i32
      %dma_start3A_141 = arith.constant 0 : i32
      %dma_start3A_142 = tpu.memref_slice %arg12[%dma_start3A_133, %dma_start3A_140, %dma_start3A_141] : memref<8x64x128xf32, #tpu.memory_space<vmem>> -> memref<1x64x128xf32, #tpu.memory_space<vmem>>
      %dma_start3A_143 = tpu.memref_squeeze %dma_start3A_142 : memref<1x64x128xf32, #tpu.memory_space<vmem>> -> memref<64x128xf32, #tpu.memory_space<vmem>>
      %dma_start3A_144 = arith.constant 0 : i32
      %dma_start3A_145 = tpu.memref_slice %arg5[%dma_start3A_144, %multiple_of3A_128] : memref<64x100000xf32, #tpu.memory_space<hbm>> -> memref<64x128xf32, #tpu.memory_space<hbm>>
      tpu.enqueue_dma source(%dma_start3A_145 : memref<64x128xf32, #tpu.memory_space<hbm>>) target(%dma_start3A_143 : memref<64x128xf32, #tpu.memory_space<vmem>>) target_semaphore(%arg14 : memref<!tpu.dma_semaphore, #tpu.memory_space<semaphore_mem>>)
      %gather3A_146 = arith.constant 3 : i32
      %gather3A_147 = arith.constant 0 : i32
      %gather3A_148 = tpu.memref_slice %arg11[%gather3A_146, %gather3A_147] : memref<8x128xi32, #tpu.memory_space<vmem>> -> memref<1x128xi32, #tpu.memory_space<vmem>>
      %gather3A_149 = tpu.memref_squeeze %gather3A_148 : memref<1x128xi32, #tpu.memory_space<vmem>> -> memref<128xi32, #tpu.memory_space<vmem>>
      %gather3A_150 = tpu.vector_load_idx %gather3A_149[%add3A_23] : memref<128xi32, #tpu.memory_space<vmem>>[vector<16xi32>], vector<16xi32>,
      %eq3A_151 = arith.constant 0 : i32
      %eq3A_152 = vector.broadcast %eq3A_151 : i32 to vector<16xi32>
      %eq3A_153 = arith.cmpi eq, %iota3A, %eq3A_152 : vector<16xi32>
      %jit3A_154 = arith.constant 0 : i32
      %broadcast_in_dim3A_155 = vector.broadcast %jit3A_154 : i32 to vector<16xi32>
      %select_n3A_156 = arith.select %eq3A_153, %gather3A_150, %broadcast_in_dim3A_155 : vector<16xi1>, vector<16xi32>
      %reduce_sum3A_157 = arith.constant true
      %reduce_sum3A_158 = vector.broadcast %reduce_sum3A_157 : i1 to vector<16xi1>
      %reduce_sum3A_159 = tpu.scan <sum>, %select_n3A_156 masked %reduce_sum3A_158 : vector<16xi32>, vector<16xi1> -> vector<16xi32>
      %reduce_sum3A_160 = vector.extract %reduce_sum3A_159[15] : i32 from vector<16xi32>
      %jit3A_161 = arith.constant 0 : i32
      %jit3A_162 = arith.constant 99999 : i32
      %max3A_163 = arith.maxsi %jit3A_161, %reduce_sum3A_160 : i32
      %min3A_164 = arith.minsi %jit3A_162, %max3A_163 : i32
      %shift_right_arithmetic3A_165 = arith.constant 7 : i32
      %shift_right_arithmetic3A_166 = arith.shrsi %min3A_164, %shift_right_arithmetic3A_165 : i32
      %shift_left3A_167 = arith.constant 7 : i32
      %shift_left3A_168 = arith.shli %shift_right_arithmetic3A_166, %shift_left3A_167 : i32
      %multiple_of3A_169 = tpu.assume_multiple %shift_left3A_168, 128 : i32
      %and3A_170 = arith.constant 127 : i32
      %and3A_171 = arith.andi %min3A_164, %and3A_170 : i32
      %add3A_172 = vector.broadcast %and3A_171 : i32 to vector<16xi32>
      %add3A_173 = arith.addi %broadcast_in_dim3A_4, %add3A_172 : vector<16xi32>
      %dma_start3A_174 = arith.constant 3 : i32
      %dma_start3A_175 = arith.constant 0 : i32
      %dma_start3A_176 = arith.constant 0 : i32
      %dma_start3A_177 = tpu.memref_slice %arg12[%dma_start3A_174, %dma_start3A_175, %dma_start3A_176] : memref<8x64x128xf32, #tpu.memory_space<vmem>> -> memref<1x64x128xf32, #tpu.memory_space<vmem>>
      %dma_start3A_178 = tpu.memref_squeeze %dma_start3A_177 : memref<1x64x128xf32, #tpu.memory_space<vmem>> -> memref<64x128xf32, #tpu.memory_space<vmem>>
      %dma_start3A_179 = arith.constant 0 : i32
      %dma_start3A_180 = tpu.memref_slice %arg5[%dma_start3A_179, %multiple_of3A_169] : memref<64x100000xf32, #tpu.memory_space<hbm>> -> memref<64x128xf32, #tpu.memory_space<hbm>>
      %dma_start3A_181 = arith.constant 0 : i32
      %dma_start3A_182 = arith.constant 0 : i32
      %dma_start3A_183 = tpu.memref_slice %arg12[%dma_start3A_174, %dma_start3A_181, %dma_start3A_182] : memref<8x64x128xf32, #tpu.memory_space<vmem>> -> memref<1x64x128xf32, #tpu.memory_space<vmem>>
      %dma_start3A_184 = tpu.memref_squeeze %dma_start3A_183 : memref<1x64x128xf32, #tpu.memory_space<vmem>> -> memref<64x128xf32, #tpu.memory_space<vmem>>
      %dma_start3A_185 = arith.constant 0 : i32
      %dma_start3A_186 = tpu.memref_slice %arg5[%dma_start3A_185, %multiple_of3A_169] : memref<64x100000xf32, #tpu.memory_space<hbm>> -> memref<64x128xf32, #tpu.memory_space<hbm>>
      tpu.enqueue_dma source(%dma_start3A_186 : memref<64x128xf32, #tpu.memory_space<hbm>>) target(%dma_start3A_184 : memref<64x128xf32, #tpu.memory_space<vmem>>) target_semaphore(%arg14 : memref<!tpu.dma_semaphore, #tpu.memory_space<semaphore_mem>>)
      %gather3A_187 = arith.constant 4 : i32
      %gather3A_188 = arith.constant 0 : i32
      %gather3A_189 = tpu.memref_slice %arg11[%gather3A_187, %gather3A_188] : memref<8x128xi32, #tpu.memory_space<vmem>> -> memref<1x128xi32, #tpu.memory_space<vmem>>
      %gather3A_190 = tpu.memref_squeeze %gather3A_189 : memref<1x128xi32, #tpu.memory_space<vmem>> -> memref<128xi32, #tpu.memory_space<vmem>>
      %gather3A_191 = tpu.vector_load_idx %gather3A_190[%add3A_23] : memref<128xi32, #tpu.memory_space<vmem>>[vector<16xi32>], vector<16xi32>,
      %eq3A_192 = arith.constant 0 : i32
      %eq3A_193 = vector.broadcast %eq3A_192 : i32 to vector<16xi32>
      %eq3A_194 = arith.cmpi eq, %iota3A, %eq3A_193 : vector<16xi32>
      %jit3A_195 = arith.constant 0 : i32
      %broadcast_in_dim3A_196 = vector.broadcast %jit3A_195 : i32 to vector<16xi32>
      %select_n3A_197 = arith.select %eq3A_194, %gather3A_191, %broadcast_in_dim3A_196 : vector<16xi1>, vector<16xi32>
      %reduce_sum3A_198 = arith.constant true
      %reduce_sum3A_199 = vector.broadcast %reduce_sum3A_198 : i1 to vector<16xi1>
      %reduce_sum3A_200 = tpu.scan <sum>, %select_n3A_197 masked %reduce_sum3A_199 : vector<16xi32>, vector<16xi1> -> vector<16xi32>
      %reduce_sum3A_201 = vector.extract %reduce_sum3A_200[15] : i32 from vector<16xi32>
      %jit3A_202 = arith.constant 0 : i32
      %jit3A_203 = arith.constant 99999 : i32
      %max3A_204 = arith.maxsi %jit3A_202, %reduce_sum3A_201 : i32
      %min3A_205 = arith.minsi %jit3A_203, %max3A_204 : i32
      %shift_right_arithmetic3A_206 = arith.constant 7 : i32
      %shift_right_arithmetic3A_207 = arith.shrsi %min3A_205, %shift_right_arithmetic3A_206 : i32
      %shift_left3A_208 = arith.constant 7 : i32
      %shift_left3A_209 = arith.shli %shift_right_arithmetic3A_207, %shift_left3A_208 : i32
      %multiple_of3A_210 = tpu.assume_multiple %shift_left3A_209, 128 : i32
      %and3A_211 = arith.constant 127 : i32
      %and3A_212 = arith.andi %min3A_205, %and3A_211 : i32
      %add3A_213 = vector.broadcast %and3A_212 : i32 to vector<16xi32>
      %add3A_214 = arith.addi %broadcast_in_dim3A_4, %add3A_213 : vector<16xi32>
      %dma_start3A_215 = arith.constant 4 : i32
      %dma_start3A_216 = arith.constant 0 : i32
      %dma_start3A_217 = arith.constant 0 : i32
      %dma_start3A_218 = tpu.memref_slice %arg12[%dma_start3A_215, %dma_start3A_216, %dma_start3A_217] : memref<8x64x128xf32, #tpu.memory_space<vmem>> -> memref<1x64x128xf32, #tpu.memory_space<vmem>>
      %dma_start3A_219 = tpu.memref_squeeze %dma_start3A_218 : memref<1x64x128xf32, #tpu.memory_space<vmem>> -> memref<64x128xf32, #tpu.memory_space<vmem>>
      %dma_start3A_220 = arith.constant 0 : i32
      %dma_start3A_221 = tpu.memref_slice %arg5[%dma_start3A_220, %multiple_of3A_210] : memref<64x100000xf32, #tpu.memory_space<hbm>> -> memref<64x128xf32, #tpu.memory_space<hbm>>
      %dma_start3A_222 = arith.constant 0 : i32
      %dma_start3A_223 = arith.constant 0 : i32
      %dma_start3A_224 = tpu.memref_slice %arg12[%dma_start3A_215, %dma_start3A_222, %dma_start3A_223] : memref<8x64x128xf32, #tpu.memory_space<vmem>> -> memref<1x64x128xf32, #tpu.memory_space<vmem>>
      %dma_start3A_225 = tpu.memref_squeeze %dma_start3A_224 : memref<1x64x128xf32, #tpu.memory_space<vmem>> -> memref<64x128xf32, #tpu.memory_space<vmem>>
      %dma_start3A_226 = arith.constant 0 : i32
      %dma_start3A_227 = tpu.memref_slice %arg5[%dma_start3A_226, %multiple_of3A_210] : memref<64x100000xf32, #tpu.memory_space<hbm>> -> memref<64x128xf32, #tpu.memory_space<hbm>>
      tpu.enqueue_dma source(%dma_start3A_227 : memref<64x128xf32, #tpu.memory_space<hbm>>) target(%dma_start3A_225 : memref<64x128xf32, #tpu.memory_space<vmem>>) target_semaphore(%arg14 : memref<!tpu.dma_semaphore, #tpu.memory_space<semaphore_mem>>)
      %gather3A_228 = arith.constant 5 : i32
      %gather3A_229 = arith.constant 0 : i32
      %gather3A_230 = tpu.memref_slice %arg11[%gather3A_228, %gather3A_229] : memref<8x128xi32, #tpu.memory_space<vmem>> -> memref<1x128xi32, #tpu.memory_space<vmem>>
      %gather3A_231 = tpu.memref_squeeze %gather3A_230 : memref<1x128xi32, #tpu.memory_space<vmem>> -> memref<128xi32, #tpu.memory_space<vmem>>
      %gather3A_232 = tpu.vector_load_idx %gather3A_231[%add3A_23] : memref<128xi32, #tpu.memory_space<vmem>>[vector<16xi32>], vector<16xi32>,
      %eq3A_233 = arith.constant 0 : i32
      %eq3A_234 = vector.broadcast %eq3A_233 : i32 to vector<16xi32>
      %eq3A_235 = arith.cmpi eq, %iota3A, %eq3A_234 : vector<16xi32>
      %jit3A_236 = arith.constant 0 : i32
      %broadcast_in_dim3A_237 = vector.broadcast %jit3A_236 : i32 to vector<16xi32>
      %select_n3A_238 = arith.select %eq3A_235, %gather3A_232, %broadcast_in_dim3A_237 : vector<16xi1>, vector<16xi32>
      %reduce_sum3A_239 = arith.constant true
      %reduce_sum3A_240 = vector.broadcast %reduce_sum3A_239 : i1 to vector<16xi1>
      %reduce_sum3A_241 = tpu.scan <sum>, %select_n3A_238 masked %reduce_sum3A_240 : vector<16xi32>, vector<16xi1> -> vector<16xi32>
      %reduce_sum3A_242 = vector.extract %reduce_sum3A_241[15] : i32 from vector<16xi32>
      %jit3A_243 = arith.constant 0 : i32
      %jit3A_244 = arith.constant 99999 : i32
      %max3A_245 = arith.maxsi %jit3A_243, %reduce_sum3A_242 : i32
      %min3A_246 = arith.minsi %jit3A_244, %max3A_245 : i32
      %shift_right_arithmetic3A_247 = arith.constant 7 : i32
      %shift_right_arithmetic3A_248 = arith.shrsi %min3A_246, %shift_right_arithmetic3A_247 : i32
      %shift_left3A_249 = arith.constant 7 : i32
      %shift_left3A_250 = arith.shli %shift_right_arithmetic3A_248, %shift_left3A_249 : i32
      %multiple_of3A_251 = tpu.assume_multiple %shift_left3A_250, 128 : i32
      %and3A_252 = arith.constant 127 : i32
      %and3A_253 = arith.andi %min3A_246, %and3A_252 : i32
      %add3A_254 = vector.broadcast %and3A_253 : i32 to vector<16xi32>
      %add3A_255 = arith.addi %broadcast_in_dim3A_4, %add3A_254 : vector<16xi32>
      %dma_start3A_256 = arith.constant 5 : i32
      %dma_start3A_257 = arith.constant 0 : i32
      %dma_start3A_258 = arith.constant 0 : i32
      %dma_start3A_259 = tpu.memref_slice %arg12[%dma_start3A_256, %dma_start3A_257, %dma_start3A_258] : memref<8x64x128xf32, #tpu.memory_space<vmem>> -> memref<1x64x128xf32, #tpu.memory_space<vmem>>
      %dma_start3A_260 = tpu.memref_squeeze %dma_start3A_259 : memref<1x64x128xf32, #tpu.memory_space<vmem>> -> memref<64x128xf32, #tpu.memory_space<vmem>>
      %dma_start3A_261 = arith.constant 0 : i32
      %dma_start3A_262 = tpu.memref_slice %arg5[%dma_start3A_261, %multiple_of3A_251] : memref<64x100000xf32, #tpu.memory_space<hbm>> -> memref<64x128xf32, #tpu.memory_space<hbm>>
      %dma_start3A_263 = arith.constant 0 : i32
      %dma_start3A_264 = arith.constant 0 : i32
      %dma_start3A_265 = tpu.memref_slice %arg12[%dma_start3A_256, %dma_start3A_263, %dma_start3A_264] : memref<8x64x128xf32, #tpu.memory_space<vmem>> -> memref<1x64x128xf32, #tpu.memory_space<vmem>>
      %dma_start3A_266 = tpu.memref_squeeze %dma_start3A_265 : memref<1x64x128xf32, #tpu.memory_space<vmem>> -> memref<64x128xf32, #tpu.memory_space<vmem>>
      %dma_start3A_267 = arith.constant 0 : i32
      %dma_start3A_268 = tpu.memref_slice %arg5[%dma_start3A_267, %multiple_of3A_251] : memref<64x100000xf32, #tpu.memory_space<hbm>> -> memref<64x128xf32, #tpu.memory_space<hbm>>
      tpu.enqueue_dma source(%dma_start3A_268 : memref<64x128xf32, #tpu.memory_space<hbm>>) target(%dma_start3A_266 : memref<64x128xf32, #tpu.memory_space<vmem>>) target_semaphore(%arg14 : memref<!tpu.dma_semaphore, #tpu.memory_space<semaphore_mem>>)
      %gather3A_269 = arith.constant 6 : i32
      %gather3A_270 = arith.constant 0 : i32
      %gather3A_271 = tpu.memref_slice %arg11[%gather3A_269, %gather3A_270] : memref<8x128xi32, #tpu.memory_space<vmem>> -> memref<1x128xi32, #tpu.memory_space<vmem>>
      %gather3A_272 = tpu.memref_squeeze %gather3A_271 : memref<1x128xi32, #tpu.memory_space<vmem>> -> memref<128xi32, #tpu.memory_space<vmem>>
      %gather3A_273 = tpu.vector_load_idx %gather3A_272[%add3A_23] : memref<128xi32, #tpu.memory_space<vmem>>[vector<16xi32>], vector<16xi32>,
      %eq3A_274 = arith.constant 0 : i32
      %eq3A_275 = vector.broadcast %eq3A_274 : i32 to vector<16xi32>
      %eq3A_276 = arith.cmpi eq, %iota3A, %eq3A_275 : vector<16xi32>
      %jit3A_277 = arith.constant 0 : i32
      %broadcast_in_dim3A_278 = vector.broadcast %jit3A_277 : i32 to vector<16xi32>
      %select_n3A_279 = arith.select %eq3A_276, %gather3A_273, %broadcast_in_dim3A_278 : vector<16xi1>, vector<16xi32>
      %reduce_sum3A_280 = arith.constant true
      %reduce_sum3A_281 = vector.broadcast %reduce_sum3A_280 : i1 to vector<16xi1>
      %reduce_sum3A_282 = tpu.scan <sum>, %select_n3A_279 masked %reduce_sum3A_281 : vector<16xi32>, vector<16xi1> -> vector<16xi32>
      %reduce_sum3A_283 = vector.extract %reduce_sum3A_282[15] : i32 from vector<16xi32>
      %jit3A_284 = arith.constant 0 : i32
      %jit3A_285 = arith.constant 99999 : i32
      %max3A_286 = arith.maxsi %jit3A_284, %reduce_sum3A_283 : i32
      %min3A_287 = arith.minsi %jit3A_285, %max3A_286 : i32
      %shift_right_arithmetic3A_288 = arith.constant 7 : i32
      %shift_right_arithmetic3A_289 = arith.shrsi %min3A_287, %shift_right_arithmetic3A_288 : i32
      %shift_left3A_290 = arith.constant 7 : i32
      %shift_left3A_291 = arith.shli %shift_right_arithmetic3A_289, %shift_left3A_290 : i32
      %multiple_of3A_292 = tpu.assume_multiple %shift_left3A_291, 128 : i32
      %and3A_293 = arith.constant 127 : i32
      %and3A_294 = arith.andi %min3A_287, %and3A_293 : i32
      %add3A_295 = vector.broadcast %and3A_294 : i32 to vector<16xi32>
      %add3A_296 = arith.addi %broadcast_in_dim3A_4, %add3A_295 : vector<16xi32>
      %dma_start3A_297 = arith.constant 6 : i32
      %dma_start3A_298 = arith.constant 0 : i32
      %dma_start3A_299 = arith.constant 0 : i32
      %dma_start3A_300 = tpu.memref_slice %arg12[%dma_start3A_297, %dma_start3A_298, %dma_start3A_299] : memref<8x64x128xf32, #tpu.memory_space<vmem>> -> memref<1x64x128xf32, #tpu.memory_space<vmem>>
      %dma_start3A_301 = tpu.memref_squeeze %dma_start3A_300 : memref<1x64x128xf32, #tpu.memory_space<vmem>> -> memref<64x128xf32, #tpu.memory_space<vmem>>
      %dma_start3A_302 = arith.constant 0 : i32
      %dma_start3A_303 = tpu.memref_slice %arg5[%dma_start3A_302, %multiple_of3A_292] : memref<64x100000xf32, #tpu.memory_space<hbm>> -> memref<64x128xf32, #tpu.memory_space<hbm>>
      %dma_start3A_304 = arith.constant 0 : i32
      %dma_start3A_305 = arith.constant 0 : i32
      %dma_start3A_306 = tpu.memref_slice %arg12[%dma_start3A_297, %dma_start3A_304, %dma_start3A_305] : memref<8x64x128xf32, #tpu.memory_space<vmem>> -> memref<1x64x128xf32, #tpu.memory_space<vmem>>
      %dma_start3A_307 = tpu.memref_squeeze %dma_start3A_306 : memref<1x64x128xf32, #tpu.memory_space<vmem>> -> memref<64x128xf32, #tpu.memory_space<vmem>>
      %dma_start3A_308 = arith.constant 0 : i32
      %dma_start3A_309 = tpu.memref_slice %arg5[%dma_start3A_308, %multiple_of3A_292] : memref<64x100000xf32, #tpu.memory_space<hbm>> -> memref<64x128xf32, #tpu.memory_space<hbm>>
      tpu.enqueue_dma source(%dma_start3A_309 : memref<64x128xf32, #tpu.memory_space<hbm>>) target(%dma_start3A_307 : memref<64x128xf32, #tpu.memory_space<vmem>>) target_semaphore(%arg14 : memref<!tpu.dma_semaphore, #tpu.memory_space<semaphore_mem>>)
      %gather3A_310 = arith.constant 7 : i32
      %gather3A_311 = arith.constant 0 : i32
      %gather3A_312 = tpu.memref_slice %arg11[%gather3A_310, %gather3A_311] : memref<8x128xi32, #tpu.memory_space<vmem>> -> memref<1x128xi32, #tpu.memory_space<vmem>>
      %gather3A_313 = tpu.memref_squeeze %gather3A_312 : memref<1x128xi32, #tpu.memory_space<vmem>> -> memref<128xi32, #tpu.memory_space<vmem>>
      %gather3A_314 = tpu.vector_load_idx %gather3A_313[%add3A_23] : memref<128xi32, #tpu.memory_space<vmem>>[vector<16xi32>], vector<16xi32>,
      %eq3A_315 = arith.constant 0 : i32
      %eq3A_316 = vector.broadcast %eq3A_315 : i32 to vector<16xi32>
      %eq3A_317 = arith.cmpi eq, %iota3A, %eq3A_316 : vector<16xi32>
      %jit3A_318 = arith.constant 0 : i32
      %broadcast_in_dim3A_319 = vector.broadcast %jit3A_318 : i32 to vector<16xi32>
      %select_n3A_320 = arith.select %eq3A_317, %gather3A_314, %broadcast_in_dim3A_319 : vector<16xi1>, vector<16xi32>
      %reduce_sum3A_321 = arith.constant true
      %reduce_sum3A_322 = vector.broadcast %reduce_sum3A_321 : i1 to vector<16xi1>
      %reduce_sum3A_323 = tpu.scan <sum>, %select_n3A_320 masked %reduce_sum3A_322 : vector<16xi32>, vector<16xi1> -> vector<16xi32>
      %reduce_sum3A_324 = vector.extract %reduce_sum3A_323[15] : i32 from vector<16xi32>
      %jit3A_325 = arith.constant 0 : i32
      %jit3A_326 = arith.constant 99999 : i32
      %max3A_327 = arith.maxsi %jit3A_325, %reduce_sum3A_324 : i32
      %min3A_328 = arith.minsi %jit3A_326, %max3A_327 : i32
      %shift_right_arithmetic3A_329 = arith.constant 7 : i32
      %shift_right_arithmetic3A_330 = arith.shrsi %min3A_328, %shift_right_arithmetic3A_329 : i32
      %shift_left3A_331 = arith.constant 7 : i32
      %shift_left3A_332 = arith.shli %shift_right_arithmetic3A_330, %shift_left3A_331 : i32
      %multiple_of3A_333 = tpu.assume_multiple %shift_left3A_332, 128 : i32
      %and3A_334 = arith.constant 127 : i32
      %and3A_335 = arith.andi %min3A_328, %and3A_334 : i32
      %add3A_336 = vector.broadcast %and3A_335 : i32 to vector<16xi32>
      %add3A_337 = arith.addi %broadcast_in_dim3A_4, %add3A_336 : vector<16xi32>
      %dma_start3A_338 = arith.constant 7 : i32
      %dma_start3A_339 = arith.constant 0 : i32
      %dma_start3A_340 = arith.constant 0 : i32
      %dma_start3A_341 = tpu.memref_slice %arg12[%dma_start3A_338, %dma_start3A_339, %dma_start3A_340] : memref<8x64x128xf32, #tpu.memory_space<vmem>> -> memref<1x64x128xf32, #tpu.memory_space<vmem>>
      %dma_start3A_342 = tpu.memref_squeeze %dma_start3A_341 : memref<1x64x128xf32, #tpu.memory_space<vmem>> -> memref<64x128xf32, #tpu.memory_space<vmem>>
      %dma_start3A_343 = arith.constant 0 : i32
      %dma_start3A_344 = tpu.memref_slice %arg5[%dma_start3A_343, %multiple_of3A_333] : memref<64x100000xf32, #tpu.memory_space<hbm>> -> memref<64x128xf32, #tpu.memory_space<hbm>>
      %dma_start3A_345 = arith.constant 0 : i32
      %dma_start3A_346 = arith.constant 0 : i32
      %dma_start3A_347 = tpu.memref_slice %arg12[%dma_start3A_338, %dma_start3A_345, %dma_start3A_346] : memref<8x64x128xf32, #tpu.memory_space<vmem>> -> memref<1x64x128xf32, #tpu.memory_space<vmem>>
      %dma_start3A_348 = tpu.memref_squeeze %dma_start3A_347 : memref<1x64x128xf32, #tpu.memory_space<vmem>> -> memref<64x128xf32, #tpu.memory_space<vmem>>
      %dma_start3A_349 = arith.constant 0 : i32
      %dma_start3A_350 = tpu.memref_slice %arg5[%dma_start3A_349, %multiple_of3A_333] : memref<64x100000xf32, #tpu.memory_space<hbm>> -> memref<64x128xf32, #tpu.memory_space<hbm>>
      tpu.enqueue_dma source(%dma_start3A_350 : memref<64x128xf32, #tpu.memory_space<hbm>>) target(%dma_start3A_348 : memref<64x128xf32, #tpu.memory_space<vmem>>) target_semaphore(%arg14 : memref<!tpu.dma_semaphore, #tpu.memory_space<semaphore_mem>>)
      %dma_wait3A = arith.constant 0 : i32
      %dma_wait3A_351 = arith.constant 0 : i32
      %dma_wait3A_352 = arith.constant 0 : i32
      %dma_wait3A_353 = tpu.memref_slice %arg12[%dma_wait3A, %dma_wait3A_351, %dma_wait3A_352] : memref<8x64x128xf32, #tpu.memory_space<vmem>> -> memref<1x64x128xf32, #tpu.memory_space<vmem>>
      %dma_wait3A_354 = tpu.memref_squeeze %dma_wait3A_353 : memref<1x64x128xf32, #tpu.memory_space<vmem>> -> memref<64x128xf32, #tpu.memory_space<vmem>>
      %dma_wait3A_355 = arith.constant 0 : i32
      %dma_wait3A_356 = tpu.memref_slice %arg5[%dma_wait3A_355, %multiple_of3A_47] : memref<64x100000xf32, #tpu.memory_space<hbm>> -> memref<64x128xf32, #tpu.memory_space<hbm>>
      %dma_wait3A_357 = arith.constant 0 : i32
      %dma_wait3A_358 = arith.constant 0 : i32
      %dma_wait3A_359 = tpu.memref_slice %arg12[%dma_wait3A, %dma_wait3A_357, %dma_wait3A_358] : memref<8x64x128xf32, #tpu.memory_space<vmem>> -> memref<1x64x128xf32, #tpu.memory_space<vmem>>
      %dma_wait3A_360 = tpu.memref_squeeze %dma_wait3A_359 : memref<1x64x128xf32, #tpu.memory_space<vmem>> -> memref<64x128xf32, #tpu.memory_space<vmem>>
      %dma_wait3A_361 = arith.constant 0 : i32
      %dma_wait3A_362 = tpu.memref_slice %arg5[%dma_wait3A_361, %multiple_of3A_47] : memref<64x100000xf32, #tpu.memory_space<hbm>> -> memref<64x128xf32, #tpu.memory_space<hbm>>
      tpu.wait_dma2 semaphore(%arg14 : memref<!tpu.dma_semaphore, #tpu.memory_space<semaphore_mem>>) src(%dma_wait3A_362 : memref<64x128xf32, #tpu.memory_space<hbm>>) dst(%dma_wait3A_360 : memref<64x128xf32, #tpu.memory_space<vmem>>)
      %iota3A_363 = tpu.iota {dimensions = array<i32: 0>} : vector<16xi32>
      %add3A_364 = arith.constant 0 : i32
      %add3A_365 = vector.broadcast %add3A_364 : i32 to vector<16xi32>
      %add3A_366 = arith.addi %iota3A_363, %add3A_365 : vector<16xi32>
      %gather3A_367 = arith.constant 0 : i32
      %gather3A_368 = arith.constant 0 : i32
      %gather3A_369 = arith.constant 0 : i32
      %gather3A_370 = tpu.memref_slice %arg12[%gather3A_367, %gather3A_368, %gather3A_369] : memref<8x64x128xf32, #tpu.memory_space<vmem>> -> memref<1x64x128xf32, #tpu.memory_space<vmem>>
      %gather3A_371 = tpu.memref_squeeze %gather3A_370 : memref<1x64x128xf32, #tpu.memory_space<vmem>> -> memref<64x128xf32, #tpu.memory_space<vmem>>
      %gather3A_372 = tpu.vector_load_idx %gather3A_371[%add3A_366, %add3A_51] : memref<64x128xf32, #tpu.memory_space<vmem>>[vector<16xi32>, vector<16xi32>], vector<16xf32>,
      %swap3A = arith.constant 0 : i32
      %swap3A_373 = arith.constant 0 : i32
      %swap3A_374 = tpu.memref_slice %arg13[%swap3A, %swap3A_373] : memref<8x64xf32, #tpu.memory_space<vmem>> -> memref<1x64xf32, #tpu.memory_space<vmem>>
      %swap3A_375 = tpu.memref_squeeze %swap3A_374 : memref<1x64xf32, #tpu.memory_space<vmem>> -> memref<64xf32, #tpu.memory_space<vmem>>
      %swap3A_376 = arith.constant 0 : index
      %swap3A_377 = tpu.vector_load %swap3A_375[%swap3A_376] {strides = array<i32>} : memref<64xf32, #tpu.memory_space<vmem>>, vector<16xf32>,
      tpu.vector_store %swap3A_375[%swap3A_376], %gather3A_372 {strides = array<i32>} : memref<64xf32, #tpu.memory_space<vmem>>, vector<16xf32>,
      %add3A_378 = arith.constant 16 : i32
      %add3A_379 = vector.broadcast %add3A_378 : i32 to vector<16xi32>
      %add3A_380 = arith.addi %iota3A_363, %add3A_379 : vector<16xi32>
      %gather3A_381 = arith.constant 0 : i32
      %gather3A_382 = arith.constant 0 : i32
      %gather3A_383 = arith.constant 0 : i32
      %gather3A_384 = tpu.memref_slice %arg12[%gather3A_381, %gather3A_382, %gather3A_383] : memref<8x64x128xf32, #tpu.memory_space<vmem>> -> memref<1x64x128xf32, #tpu.memory_space<vmem>>
      %gather3A_385 = tpu.memref_squeeze %gather3A_384 : memref<1x64x128xf32, #tpu.memory_space<vmem>> -> memref<64x128xf32, #tpu.memory_space<vmem>>
      %gather3A_386 = tpu.vector_load_idx %gather3A_385[%add3A_380, %add3A_51] : memref<64x128xf32, #tpu.memory_space<vmem>>[vector<16xi32>, vector<16xi32>], vector<16xf32>,
      %swap3A_387 = arith.constant 0 : i32
      %swap3A_388 = arith.constant 0 : i32
      %swap3A_389 = tpu.memref_slice %arg13[%swap3A_387, %swap3A_388] : memref<8x64xf32, #tpu.memory_space<vmem>> -> memref<1x64xf32, #tpu.memory_space<vmem>>
      %swap3A_390 = tpu.memref_squeeze %swap3A_389 : memref<1x64xf32, #tpu.memory_space<vmem>> -> memref<64xf32, #tpu.memory_space<vmem>>
      %swap3A_391 = arith.constant 16 : index
      %swap3A_392 = tpu.vector_load %swap3A_390[%swap3A_391] {strides = array<i32>} : memref<64xf32, #tpu.memory_space<vmem>>, vector<16xf32>,
      tpu.vector_store %swap3A_390[%swap3A_391], %gather3A_386 {strides = array<i32>} : memref<64xf32, #tpu.memory_space<vmem>>, vector<16xf32>,
      %add3A_393 = arith.constant 32 : i32
      %add3A_394 = vector.broadcast %add3A_393 : i32 to vector<16xi32>
      %add3A_395 = arith.addi %iota3A_363, %add3A_394 : vector<16xi32>
      %gather3A_396 = arith.constant 0 : i32
      %gather3A_397 = arith.constant 0 : i32
      %gather3A_398 = arith.constant 0 : i32
      %gather3A_399 = tpu.memref_slice %arg12[%gather3A_396, %gather3A_397, %gather3A_398] : memref<8x64x128xf32, #tpu.memory_space<vmem>> -> memref<1x64x128xf32, #tpu.memory_space<vmem>>
      %gather3A_400 = tpu.memref_squeeze %gather3A_399 : memref<1x64x128xf32, #tpu.memory_space<vmem>> -> memref<64x128xf32, #tpu.memory_space<vmem>>
      %gather3A_401 = tpu.vector_load_idx %gather3A_400[%add3A_395, %add3A_51] : memref<64x128xf32, #tpu.memory_space<vmem>>[vector<16xi32>, vector<16xi32>], vector<16xf32>,
      %swap3A_402 = arith.constant 0 : i32
      %swap3A_403 = arith.constant 0 : i32
      %swap3A_404 = tpu.memref_slice %arg13[%swap3A_402, %swap3A_403] : memref<8x64xf32, #tpu.memory_space<vmem>> -> memref<1x64xf32, #tpu.memory_space<vmem>>
      %swap3A_405 = tpu.memref_squeeze %swap3A_404 : memref<1x64xf32, #tpu.memory_space<vmem>> -> memref<64xf32, #tpu.memory_space<vmem>>
      %swap3A_406 = arith.constant 32 : index
      %swap3A_407 = tpu.vector_load %swap3A_405[%swap3A_406] {strides = array<i32>} : memref<64xf32, #tpu.memory_space<vmem>>, vector<16xf32>,
      tpu.vector_store %swap3A_405[%swap3A_406], %gather3A_401 {strides = array<i32>} : memref<64xf32, #tpu.memory_space<vmem>>, vector<16xf32>,
      %add3A_408 = arith.constant 48 : i32
      %add3A_409 = vector.broadcast %add3A_408 : i32 to vector<16xi32>
      %add3A_410 = arith.addi %iota3A_363, %add3A_409 : vector<16xi32>
      %gather3A_411 = arith.constant 0 : i32
      %gather3A_412 = arith.constant 0 : i32
      %gather3A_413 = arith.constant 0 : i32
      %gather3A_414 = tpu.memref_slice %arg12[%gather3A_411, %gather3A_412, %gather3A_413] : memref<8x64x128xf32, #tpu.memory_space<vmem>> -> memref<1x64x128xf32, #tpu.memory_space<vmem>>
      %gather3A_415 = tpu.memref_squeeze %gather3A_414 : memref<1x64x128xf32, #tpu.memory_space<vmem>> -> memref<64x128xf32, #tpu.memory_space<vmem>>
      %gather3A_416 = tpu.vector_load_idx %gather3A_415[%add3A_410, %add3A_51] : memref<64x128xf32, #tpu.memory_space<vmem>>[vector<16xi32>, vector<16xi32>], vector<16xf32>,
      %swap3A_417 = arith.constant 0 : i32
      %swap3A_418 = arith.constant 0 : i32
      %swap3A_419 = tpu.memref_slice %arg13[%swap3A_417, %swap3A_418] : memref<8x64xf32, #tpu.memory_space<vmem>> -> memref<1x64xf32, #tpu.memory_space<vmem>>
      %swap3A_420 = tpu.memref_squeeze %swap3A_419 : memref<1x64xf32, #tpu.memory_space<vmem>> -> memref<64xf32, #tpu.memory_space<vmem>>
      %swap3A_421 = arith.constant 48 : index
      %swap3A_422 = tpu.vector_load %swap3A_420[%swap3A_421] {strides = array<i32>} : memref<64xf32, #tpu.memory_space<vmem>>, vector<16xf32>,
      tpu.vector_store %swap3A_420[%swap3A_421], %gather3A_416 {strides = array<i32>} : memref<64xf32, #tpu.memory_space<vmem>>, vector<16xf32>,
      %dma_wait3A_423 = arith.constant 1 : i32
      %dma_wait3A_424 = arith.constant 0 : i32
      %dma_wait3A_425 = arith.constant 0 : i32
      %dma_wait3A_426 = tpu.memref_slice %arg12[%dma_wait3A_423, %dma_wait3A_424, %dma_wait3A_425] : memref<8x64x128xf32, #tpu.memory_space<vmem>> -> memref<1x64x128xf32, #tpu.memory_space<vmem>>
      %dma_wait3A_427 = tpu.memref_squeeze %dma_wait3A_426 : memref<1x64x128xf32, #tpu.memory_space<vmem>> -> memref<64x128xf32, #tpu.memory_space<vmem>>
      %dma_wait3A_428 = arith.constant 0 : i32
      %dma_wait3A_429 = tpu.memref_slice %arg5[%dma_wait3A_428, %multiple_of3A_87] : memref<64x100000xf32, #tpu.memory_space<hbm>> -> memref<64x128xf32, #tpu.memory_space<hbm>>
      %dma_wait3A_430 = arith.constant 0 : i32
      %dma_wait3A_431 = arith.constant 0 : i32
      %dma_wait3A_432 = tpu.memref_slice %arg12[%dma_wait3A_423, %dma_wait3A_430, %dma_wait3A_431] : memref<8x64x128xf32, #tpu.memory_space<vmem>> -> memref<1x64x128xf32, #tpu.memory_space<vmem>>
      %dma_wait3A_433 = tpu.memref_squeeze %dma_wait3A_432 : memref<1x64x128xf32, #tpu.memory_space<vmem>> -> memref<64x128xf32, #tpu.memory_space<vmem>>
      %dma_wait3A_434 = arith.constant 0 : i32
      %dma_wait3A_435 = tpu.memref_slice %arg5[%dma_wait3A_434, %multiple_of3A_87] : memref<64x100000xf32, #tpu.memory_space<hbm>> -> memref<64x128xf32, #tpu.memory_space<hbm>>
      tpu.wait_dma2 semaphore(%arg14 : memref<!tpu.dma_semaphore, #tpu.memory_space<semaphore_mem>>) src(%dma_wait3A_435 : memref<64x128xf32, #tpu.memory_space<hbm>>) dst(%dma_wait3A_433 : memref<64x128xf32, #tpu.memory_space<vmem>>)
      %iota3A_436 = tpu.iota {dimensions = array<i32: 0>} : vector<16xi32>
      %add3A_437 = arith.constant 0 : i32
      %add3A_438 = vector.broadcast %add3A_437 : i32 to vector<16xi32>
      %add3A_439 = arith.addi %iota3A_436, %add3A_438 : vector<16xi32>
      %gather3A_440 = arith.constant 1 : i32
      %gather3A_441 = arith.constant 0 : i32
      %gather3A_442 = arith.constant 0 : i32
      %gather3A_443 = tpu.memref_slice %arg12[%gather3A_440, %gather3A_441, %gather3A_442] : memref<8x64x128xf32, #tpu.memory_space<vmem>> -> memref<1x64x128xf32, #tpu.memory_space<vmem>>
      %gather3A_444 = tpu.memref_squeeze %gather3A_443 : memref<1x64x128xf32, #tpu.memory_space<vmem>> -> memref<64x128xf32, #tpu.memory_space<vmem>>
      %gather3A_445 = tpu.vector_load_idx %gather3A_444[%add3A_439, %add3A_91] : memref<64x128xf32, #tpu.memory_space<vmem>>[vector<16xi32>, vector<16xi32>], vector<16xf32>,
      %swap3A_446 = arith.constant 1 : i32
      %swap3A_447 = arith.constant 0 : i32
      %swap3A_448 = tpu.memref_slice %arg13[%swap3A_446, %swap3A_447] : memref<8x64xf32, #tpu.memory_space<vmem>> -> memref<1x64xf32, #tpu.memory_space<vmem>>
      %swap3A_449 = tpu.memref_squeeze %swap3A_448 : memref<1x64xf32, #tpu.memory_space<vmem>> -> memref<64xf32, #tpu.memory_space<vmem>>
      %swap3A_450 = arith.constant 0 : index
      %swap3A_451 = tpu.vector_load %swap3A_449[%swap3A_450] {strides = array<i32>} : memref<64xf32, #tpu.memory_space<vmem>>, vector<16xf32>,
      tpu.vector_store %swap3A_449[%swap3A_450], %gather3A_445 {strides = array<i32>} : memref<64xf32, #tpu.memory_space<vmem>>, vector<16xf32>,
      %add3A_452 = arith.constant 16 : i32
      %add3A_453 = vector.broadcast %add3A_452 : i32 to vector<16xi32>
      %add3A_454 = arith.addi %iota3A_436, %add3A_453 : vector<16xi32>
      %gather3A_455 = arith.constant 1 : i32
      %gather3A_456 = arith.constant 0 : i32
      %gather3A_457 = arith.constant 0 : i32
      %gather3A_458 = tpu.memref_slice %arg12[%gather3A_455, %gather3A_456, %gather3A_457] : memref<8x64x128xf32, #tpu.memory_space<vmem>> -> memref<1x64x128xf32, #tpu.memory_space<vmem>>
      %gather3A_459 = tpu.memref_squeeze %gather3A_458 : memref<1x64x128xf32, #tpu.memory_space<vmem>> -> memref<64x128xf32, #tpu.memory_space<vmem>>
      %gather3A_460 = tpu.vector_load_idx %gather3A_459[%add3A_454, %add3A_91] : memref<64x128xf32, #tpu.memory_space<vmem>>[vector<16xi32>, vector<16xi32>], vector<16xf32>,
      %swap3A_461 = arith.constant 1 : i32
      %swap3A_462 = arith.constant 0 : i32
      %swap3A_463 = tpu.memref_slice %arg13[%swap3A_461, %swap3A_462] : memref<8x64xf32, #tpu.memory_space<vmem>> -> memref<1x64xf32, #tpu.memory_space<vmem>>
      %swap3A_464 = tpu.memref_squeeze %swap3A_463 : memref<1x64xf32, #tpu.memory_space<vmem>> -> memref<64xf32, #tpu.memory_space<vmem>>
      %swap3A_465 = arith.constant 16 : index
      %swap3A_466 = tpu.vector_load %swap3A_464[%swap3A_465] {strides = array<i32>} : memref<64xf32, #tpu.memory_space<vmem>>, vector<16xf32>,
      tpu.vector_store %swap3A_464[%swap3A_465], %gather3A_460 {strides = array<i32>} : memref<64xf32, #tpu.memory_space<vmem>>, vector<16xf32>,
      %add3A_467 = arith.constant 32 : i32
      %add3A_468 = vector.broadcast %add3A_467 : i32 to vector<16xi32>
      %add3A_469 = arith.addi %iota3A_436, %add3A_468 : vector<16xi32>
      %gather3A_470 = arith.constant 1 : i32
      %gather3A_471 = arith.constant 0 : i32
      %gather3A_472 = arith.constant 0 : i32
      %gather3A_473 = tpu.memref_slice %arg12[%gather3A_470, %gather3A_471, %gather3A_472] : memref<8x64x128xf32, #tpu.memory_space<vmem>> -> memref<1x64x128xf32, #tpu.memory_space<vmem>>
      %gather3A_474 = tpu.memref_squeeze %gather3A_473 : memref<1x64x128xf32, #tpu.memory_space<vmem>> -> memref<64x128xf32, #tpu.memory_space<vmem>>
      %gather3A_475 = tpu.vector_load_idx %gather3A_474[%add3A_469, %add3A_91] : memref<64x128xf32, #tpu.memory_space<vmem>>[vector<16xi32>, vector<16xi32>], vector<16xf32>,
      %swap3A_476 = arith.constant 1 : i32
      %swap3A_477 = arith.constant 0 : i32
      %swap3A_478 = tpu.memref_slice %arg13[%swap3A_476, %swap3A_477] : memref<8x64xf32, #tpu.memory_space<vmem>> -> memref<1x64xf32, #tpu.memory_space<vmem>>
      %swap3A_479 = tpu.memref_squeeze %swap3A_478 : memref<1x64xf32, #tpu.memory_space<vmem>> -> memref<64xf32, #tpu.memory_space<vmem>>
      %swap3A_480 = arith.constant 32 : index
      %swap3A_481 = tpu.vector_load %swap3A_479[%swap3A_480] {strides = array<i32>} : memref<64xf32, #tpu.memory_space<vmem>>, vector<16xf32>,
      tpu.vector_store %swap3A_479[%swap3A_480], %gather3A_475 {strides = array<i32>} : memref<64xf32, #tpu.memory_space<vmem>>, vector<16xf32>,
      %add3A_482 = arith.constant 48 : i32
      %add3A_483 = vector.broadcast %add3A_482 : i32 to vector<16xi32>
      %add3A_484 = arith.addi %iota3A_436, %add3A_483 : vector<16xi32>
      %gather3A_485 = arith.constant 1 : i32
      %gather3A_486 = arith.constant 0 : i32
      %gather3A_487 = arith.constant 0 : i32
      %gather3A_488 = tpu.memref_slice %arg12[%gather3A_485, %gather3A_486, %gather3A_487] : memref<8x64x128xf32, #tpu.memory_space<vmem>> -> memref<1x64x128xf32, #tpu.memory_space<vmem>>
      %gather3A_489 = tpu.memref_squeeze %gather3A_488 : memref<1x64x128xf32, #tpu.memory_space<vmem>> -> memref<64x128xf32, #tpu.memory_space<vmem>>
      %gather3A_490 = tpu.vector_load_idx %gather3A_489[%add3A_484, %add3A_91] : memref<64x128xf32, #tpu.memory_space<vmem>>[vector<16xi32>, vector<16xi32>], vector<16xf32>,
      %swap3A_491 = arith.constant 1 : i32
      %swap3A_492 = arith.constant 0 : i32
      %swap3A_493 = tpu.memref_slice %arg13[%swap3A_491, %swap3A_492] : memref<8x64xf32, #tpu.memory_space<vmem>> -> memref<1x64xf32, #tpu.memory_space<vmem>>
      %swap3A_494 = tpu.memref_squeeze %swap3A_493 : memref<1x64xf32, #tpu.memory_space<vmem>> -> memref<64xf32, #tpu.memory_space<vmem>>
      %swap3A_495 = arith.constant 48 : index
      %swap3A_496 = tpu.vector_load %swap3A_494[%swap3A_495] {strides = array<i32>} : memref<64xf32, #tpu.memory_space<vmem>>, vector<16xf32>,
      tpu.vector_store %swap3A_494[%swap3A_495], %gather3A_490 {strides = array<i32>} : memref<64xf32, #tpu.memory_space<vmem>>, vector<16xf32>,
      %dma_wait3A_497 = arith.constant 2 : i32
      %dma_wait3A_498 = arith.constant 0 : i32
      %dma_wait3A_499 = arith.constant 0 : i32
      %dma_wait3A_500 = tpu.memref_slice %arg12[%dma_wait3A_497, %dma_wait3A_498, %dma_wait3A_499] : memref<8x64x128xf32, #tpu.memory_space<vmem>> -> memref<1x64x128xf32, #tpu.memory_space<vmem>>
      %dma_wait3A_501 = tpu.memref_squeeze %dma_wait3A_500 : memref<1x64x128xf32, #tpu.memory_space<vmem>> -> memref<64x128xf32, #tpu.memory_space<vmem>>
      %dma_wait3A_502 = arith.constant 0 : i32
      %dma_wait3A_503 = tpu.memref_slice %arg5[%dma_wait3A_502, %multiple_of3A_128] : memref<64x100000xf32, #tpu.memory_space<hbm>> -> memref<64x128xf32, #tpu.memory_space<hbm>>
      %dma_wait3A_504 = arith.constant 0 : i32
      %dma_wait3A_505 = arith.constant 0 : i32
      %dma_wait3A_506 = tpu.memref_slice %arg12[%dma_wait3A_497, %dma_wait3A_504, %dma_wait3A_505] : memref<8x64x128xf32, #tpu.memory_space<vmem>> -> memref<1x64x128xf32, #tpu.memory_space<vmem>>
      %dma_wait3A_507 = tpu.memref_squeeze %dma_wait3A_506 : memref<1x64x128xf32, #tpu.memory_space<vmem>> -> memref<64x128xf32, #tpu.memory_space<vmem>>
      %dma_wait3A_508 = arith.constant 0 : i32
      %dma_wait3A_509 = tpu.memref_slice %arg5[%dma_wait3A_508, %multiple_of3A_128] : memref<64x100000xf32, #tpu.memory_space<hbm>> -> memref<64x128xf32, #tpu.memory_space<hbm>>
      tpu.wait_dma2 semaphore(%arg14 : memref<!tpu.dma_semaphore, #tpu.memory_space<semaphore_mem>>) src(%dma_wait3A_509 : memref<64x128xf32, #tpu.memory_space<hbm>>) dst(%dma_wait3A_507 : memref<64x128xf32, #tpu.memory_space<vmem>>)
      %iota3A_510 = tpu.iota {dimensions = array<i32: 0>} : vector<16xi32>
      %add3A_511 = arith.constant 0 : i32
      %add3A_512 = vector.broadcast %add3A_511 : i32 to vector<16xi32>
      %add3A_513 = arith.addi %iota3A_510, %add3A_512 : vector<16xi32>
      %gather3A_514 = arith.constant 2 : i32
      %gather3A_515 = arith.constant 0 : i32
      %gather3A_516 = arith.constant 0 : i32
      %gather3A_517 = tpu.memref_slice %arg12[%gather3A_514, %gather3A_515, %gather3A_516] : memref<8x64x128xf32, #tpu.memory_space<vmem>> -> memref<1x64x128xf32, #tpu.memory_space<vmem>>
      %gather3A_518 = tpu.memref_squeeze %gather3A_517 : memref<1x64x128xf32, #tpu.memory_space<vmem>> -> memref<64x128xf32, #tpu.memory_space<vmem>>
      %gather3A_519 = tpu.vector_load_idx %gather3A_518[%add3A_513, %add3A_132] : memref<64x128xf32, #tpu.memory_space<vmem>>[vector<16xi32>, vector<16xi32>], vector<16xf32>,
      %swap3A_520 = arith.constant 2 : i32
      %swap3A_521 = arith.constant 0 : i32
      %swap3A_522 = tpu.memref_slice %arg13[%swap3A_520, %swap3A_521] : memref<8x64xf32, #tpu.memory_space<vmem>> -> memref<1x64xf32, #tpu.memory_space<vmem>>
      %swap3A_523 = tpu.memref_squeeze %swap3A_522 : memref<1x64xf32, #tpu.memory_space<vmem>> -> memref<64xf32, #tpu.memory_space<vmem>>
      %swap3A_524 = arith.constant 0 : index
      %swap3A_525 = tpu.vector_load %swap3A_523[%swap3A_524] {strides = array<i32>} : memref<64xf32, #tpu.memory_space<vmem>>, vector<16xf32>,
      tpu.vector_store %swap3A_523[%swap3A_524], %gather3A_519 {strides = array<i32>} : memref<64xf32, #tpu.memory_space<vmem>>, vector<16xf32>,
      %add3A_526 = arith.constant 16 : i32
      %add3A_527 = vector.broadcast %add3A_526 : i32 to vector<16xi32>
      %add3A_528 = arith.addi %iota3A_510, %add3A_527 : vector<16xi32>
      %gather3A_529 = arith.constant 2 : i32
      %gather3A_530 = arith.constant 0 : i32
      %gather3A_531 = arith.constant 0 : i32
      %gather3A_532 = tpu.memref_slice %arg12[%gather3A_529, %gather3A_530, %gather3A_531] : memref<8x64x128xf32, #tpu.memory_space<vmem>> -> memref<1x64x128xf32, #tpu.memory_space<vmem>>
      %gather3A_533 = tpu.memref_squeeze %gather3A_532 : memref<1x64x128xf32, #tpu.memory_space<vmem>> -> memref<64x128xf32, #tpu.memory_space<vmem>>
      %gather3A_534 = tpu.vector_load_idx %gather3A_533[%add3A_528, %add3A_132] : memref<64x128xf32, #tpu.memory_space<vmem>>[vector<16xi32>, vector<16xi32>], vector<16xf32>,
      %swap3A_535 = arith.constant 2 : i32
      %swap3A_536 = arith.constant 0 : i32
      %swap3A_537 = tpu.memref_slice %arg13[%swap3A_535, %swap3A_536] : memref<8x64xf32, #tpu.memory_space<vmem>> -> memref<1x64xf32, #tpu.memory_space<vmem>>
      %swap3A_538 = tpu.memref_squeeze %swap3A_537 : memref<1x64xf32, #tpu.memory_space<vmem>> -> memref<64xf32, #tpu.memory_space<vmem>>
      %swap3A_539 = arith.constant 16 : index
      %swap3A_540 = tpu.vector_load %swap3A_538[%swap3A_539] {strides = array<i32>} : memref<64xf32, #tpu.memory_space<vmem>>, vector<16xf32>,
      tpu.vector_store %swap3A_538[%swap3A_539], %gather3A_534 {strides = array<i32>} : memref<64xf32, #tpu.memory_space<vmem>>, vector<16xf32>,
      %add3A_541 = arith.constant 32 : i32
      %add3A_542 = vector.broadcast %add3A_541 : i32 to vector<16xi32>
      %add3A_543 = arith.addi %iota3A_510, %add3A_542 : vector<16xi32>
      %gather3A_544 = arith.constant 2 : i32
      %gather3A_545 = arith.constant 0 : i32
      %gather3A_546 = arith.constant 0 : i32
      %gather3A_547 = tpu.memref_slice %arg12[%gather3A_544, %gather3A_545, %gather3A_546] : memref<8x64x128xf32, #tpu.memory_space<vmem>> -> memref<1x64x128xf32, #tpu.memory_space<vmem>>
      %gather3A_548 = tpu.memref_squeeze %gather3A_547 : memref<1x64x128xf32, #tpu.memory_space<vmem>> -> memref<64x128xf32, #tpu.memory_space<vmem>>
      %gather3A_549 = tpu.vector_load_idx %gather3A_548[%add3A_543, %add3A_132] : memref<64x128xf32, #tpu.memory_space<vmem>>[vector<16xi32>, vector<16xi32>], vector<16xf32>,
      %swap3A_550 = arith.constant 2 : i32
      %swap3A_551 = arith.constant 0 : i32
      %swap3A_552 = tpu.memref_slice %arg13[%swap3A_550, %swap3A_551] : memref<8x64xf32, #tpu.memory_space<vmem>> -> memref<1x64xf32, #tpu.memory_space<vmem>>
      %swap3A_553 = tpu.memref_squeeze %swap3A_552 : memref<1x64xf32, #tpu.memory_space<vmem>> -> memref<64xf32, #tpu.memory_space<vmem>>
      %swap3A_554 = arith.constant 32 : index
      %swap3A_555 = tpu.vector_load %swap3A_553[%swap3A_554] {strides = array<i32>} : memref<64xf32, #tpu.memory_space<vmem>>, vector<16xf32>,
      tpu.vector_store %swap3A_553[%swap3A_554], %gather3A_549 {strides = array<i32>} : memref<64xf32, #tpu.memory_space<vmem>>, vector<16xf32>,
      %add3A_556 = arith.constant 48 : i32
      %add3A_557 = vector.broadcast %add3A_556 : i32 to vector<16xi32>
      %add3A_558 = arith.addi %iota3A_510, %add3A_557 : vector<16xi32>
      %gather3A_559 = arith.constant 2 : i32
      %gather3A_560 = arith.constant 0 : i32
      %gather3A_561 = arith.constant 0 : i32
      %gather3A_562 = tpu.memref_slice %arg12[%gather3A_559, %gather3A_560, %gather3A_561] : memref<8x64x128xf32, #tpu.memory_space<vmem>> -> memref<1x64x128xf32, #tpu.memory_space<vmem>>
      %gather3A_563 = tpu.memref_squeeze %gather3A_562 : memref<1x64x128xf32, #tpu.memory_space<vmem>> -> memref<64x128xf32, #tpu.memory_space<vmem>>
      %gather3A_564 = tpu.vector_load_idx %gather3A_563[%add3A_558, %add3A_132] : memref<64x128xf32, #tpu.memory_space<vmem>>[vector<16xi32>, vector<16xi32>], vector<16xf32>,
      %swap3A_565 = arith.constant 2 : i32
      %swap3A_566 = arith.constant 0 : i32
      %swap3A_567 = tpu.memref_slice %arg13[%swap3A_565, %swap3A_566] : memref<8x64xf32, #tpu.memory_space<vmem>> -> memref<1x64xf32, #tpu.memory_space<vmem>>
      %swap3A_568 = tpu.memref_squeeze %swap3A_567 : memref<1x64xf32, #tpu.memory_space<vmem>> -> memref<64xf32, #tpu.memory_space<vmem>>
      %swap3A_569 = arith.constant 48 : index
      %swap3A_570 = tpu.vector_load %swap3A_568[%swap3A_569] {strides = array<i32>} : memref<64xf32, #tpu.memory_space<vmem>>, vector<16xf32>,
      tpu.vector_store %swap3A_568[%swap3A_569], %gather3A_564 {strides = array<i32>} : memref<64xf32, #tpu.memory_space<vmem>>, vector<16xf32>,
      %dma_wait3A_571 = arith.constant 3 : i32
      %dma_wait3A_572 = arith.constant 0 : i32
      %dma_wait3A_573 = arith.constant 0 : i32
      %dma_wait3A_574 = tpu.memref_slice %arg12[%dma_wait3A_571, %dma_wait3A_572, %dma_wait3A_573] : memref<8x64x128xf32, #tpu.memory_space<vmem>> -> memref<1x64x128xf32, #tpu.memory_space<vmem>>
      %dma_wait3A_575 = tpu.memref_squeeze %dma_wait3A_574 : memref<1x64x128xf32, #tpu.memory_space<vmem>> -> memref<64x128xf32, #tpu.memory_space<vmem>>
      %dma_wait3A_576 = arith.constant 0 : i32
      %dma_wait3A_577 = tpu.memref_slice %arg5[%dma_wait3A_576, %multiple_of3A_169] : memref<64x100000xf32, #tpu.memory_space<hbm>> -> memref<64x128xf32, #tpu.memory_space<hbm>>
      %dma_wait3A_578 = arith.constant 0 : i32
      %dma_wait3A_579 = arith.constant 0 : i32
      %dma_wait3A_580 = tpu.memref_slice %arg12[%dma_wait3A_571, %dma_wait3A_578, %dma_wait3A_579] : memref<8x64x128xf32, #tpu.memory_space<vmem>> -> memref<1x64x128xf32, #tpu.memory_space<vmem>>
      %dma_wait3A_581 = tpu.memref_squeeze %dma_wait3A_580 : memref<1x64x128xf32, #tpu.memory_space<vmem>> -> memref<64x128xf32, #tpu.memory_space<vmem>>
      %dma_wait3A_582 = arith.constant 0 : i32
      %dma_wait3A_583 = tpu.memref_slice %arg5[%dma_wait3A_582, %multiple_of3A_169] : memref<64x100000xf32, #tpu.memory_space<hbm>> -> memref<64x128xf32, #tpu.memory_space<hbm>>
      tpu.wait_dma2 semaphore(%arg14 : memref<!tpu.dma_semaphore, #tpu.memory_space<semaphore_mem>>) src(%dma_wait3A_583 : memref<64x128xf32, #tpu.memory_space<hbm>>) dst(%dma_wait3A_581 : memref<64x128xf32, #tpu.memory_space<vmem>>)
      %iota3A_584 = tpu.iota {dimensions = array<i32: 0>} : vector<16xi32>
      %add3A_585 = arith.constant 0 : i32
      %add3A_586 = vector.broadcast %add3A_585 : i32 to vector<16xi32>
      %add3A_587 = arith.addi %iota3A_584, %add3A_586 : vector<16xi32>
      %gather3A_588 = arith.constant 3 : i32
      %gather3A_589 = arith.constant 0 : i32
      %gather3A_590 = arith.constant 0 : i32
      %gather3A_591 = tpu.memref_slice %arg12[%gather3A_588, %gather3A_589, %gather3A_590] : memref<8x64x128xf32, #tpu.memory_space<vmem>> -> memref<1x64x128xf32, #tpu.memory_space<vmem>>
      %gather3A_592 = tpu.memref_squeeze %gather3A_591 : memref<1x64x128xf32, #tpu.memory_space<vmem>> -> memref<64x128xf32, #tpu.memory_space<vmem>>
      %gather3A_593 = tpu.vector_load_idx %gather3A_592[%add3A_587, %add3A_173] : memref<64x128xf32, #tpu.memory_space<vmem>>[vector<16xi32>, vector<16xi32>], vector<16xf32>,
      %swap3A_594 = arith.constant 3 : i32
      %swap3A_595 = arith.constant 0 : i32
      %swap3A_596 = tpu.memref_slice %arg13[%swap3A_594, %swap3A_595] : memref<8x64xf32, #tpu.memory_space<vmem>> -> memref<1x64xf32, #tpu.memory_space<vmem>>
      %swap3A_597 = tpu.memref_squeeze %swap3A_596 : memref<1x64xf32, #tpu.memory_space<vmem>> -> memref<64xf32, #tpu.memory_space<vmem>>
      %swap3A_598 = arith.constant 0 : index
      %swap3A_599 = tpu.vector_load %swap3A_597[%swap3A_598] {strides = array<i32>} : memref<64xf32, #tpu.memory_space<vmem>>, vector<16xf32>,
      tpu.vector_store %swap3A_597[%swap3A_598], %gather3A_593 {strides = array<i32>} : memref<64xf32, #tpu.memory_space<vmem>>, vector<16xf32>,
      %add3A_600 = arith.constant 16 : i32
      %add3A_601 = vector.broadcast %add3A_600 : i32 to vector<16xi32>
      %add3A_602 = arith.addi %iota3A_584, %add3A_601 : vector<16xi32>
      %gather3A_603 = arith.constant 3 : i32
      %gather3A_604 = arith.constant 0 : i32
      %gather3A_605 = arith.constant 0 : i32
      %gather3A_606 = tpu.memref_slice %arg12[%gather3A_603, %gather3A_604, %gather3A_605] : memref<8x64x128xf32, #tpu.memory_space<vmem>> -> memref<1x64x128xf32, #tpu.memory_space<vmem>>
      %gather3A_607 = tpu.memref_squeeze %gather3A_606 : memref<1x64x128xf32, #tpu.memory_space<vmem>> -> memref<64x128xf32, #tpu.memory_space<vmem>>
      %gather3A_608 = tpu.vector_load_idx %gather3A_607[%add3A_602, %add3A_173] : memref<64x128xf32, #tpu.memory_space<vmem>>[vector<16xi32>, vector<16xi32>], vector<16xf32>,
      %swap3A_609 = arith.constant 3 : i32
      %swap3A_610 = arith.constant 0 : i32
      %swap3A_611 = tpu.memref_slice %arg13[%swap3A_609, %swap3A_610] : memref<8x64xf32, #tpu.memory_space<vmem>> -> memref<1x64xf32, #tpu.memory_space<vmem>>
      %swap3A_612 = tpu.memref_squeeze %swap3A_611 : memref<1x64xf32, #tpu.memory_space<vmem>> -> memref<64xf32, #tpu.memory_space<vmem>>
      %swap3A_613 = arith.constant 16 : index
      %swap3A_614 = tpu.vector_load %swap3A_612[%swap3A_613] {strides = array<i32>} : memref<64xf32, #tpu.memory_space<vmem>>, vector<16xf32>,
      tpu.vector_store %swap3A_612[%swap3A_613], %gather3A_608 {strides = array<i32>} : memref<64xf32, #tpu.memory_space<vmem>>, vector<16xf32>,
      %add3A_615 = arith.constant 32 : i32
      %add3A_616 = vector.broadcast %add3A_615 : i32 to vector<16xi32>
      %add3A_617 = arith.addi %iota3A_584, %add3A_616 : vector<16xi32>
      %gather3A_618 = arith.constant 3 : i32
      %gather3A_619 = arith.constant 0 : i32
      %gather3A_620 = arith.constant 0 : i32
      %gather3A_621 = tpu.memref_slice %arg12[%gather3A_618, %gather3A_619, %gather3A_620] : memref<8x64x128xf32, #tpu.memory_space<vmem>> -> memref<1x64x128xf32, #tpu.memory_space<vmem>>
      %gather3A_622 = tpu.memref_squeeze %gather3A_621 : memref<1x64x128xf32, #tpu.memory_space<vmem>> -> memref<64x128xf32, #tpu.memory_space<vmem>>
      %gather3A_623 = tpu.vector_load_idx %gather3A_622[%add3A_617, %add3A_173] : memref<64x128xf32, #tpu.memory_space<vmem>>[vector<16xi32>, vector<16xi32>], vector<16xf32>,
      %swap3A_624 = arith.constant 3 : i32
      %swap3A_625 = arith.constant 0 : i32
      %swap3A_626 = tpu.memref_slice %arg13[%swap3A_624, %swap3A_625] : memref<8x64xf32, #tpu.memory_space<vmem>> -> memref<1x64xf32, #tpu.memory_space<vmem>>
      %swap3A_627 = tpu.memref_squeeze %swap3A_626 : memref<1x64xf32, #tpu.memory_space<vmem>> -> memref<64xf32, #tpu.memory_space<vmem>>
      %swap3A_628 = arith.constant 32 : index
      %swap3A_629 = tpu.vector_load %swap3A_627[%swap3A_628] {strides = array<i32>} : memref<64xf32, #tpu.memory_space<vmem>>, vector<16xf32>,
      tpu.vector_store %swap3A_627[%swap3A_628], %gather3A_623 {strides = array<i32>} : memref<64xf32, #tpu.memory_space<vmem>>, vector<16xf32>,
      %add3A_630 = arith.constant 48 : i32
      %add3A_631 = vector.broadcast %add3A_630 : i32 to vector<16xi32>
      %add3A_632 = arith.addi %iota3A_584, %add3A_631 : vector<16xi32>
      %gather3A_633 = arith.constant 3 : i32
      %gather3A_634 = arith.constant 0 : i32
      %gather3A_635 = arith.constant 0 : i32
      %gather3A_636 = tpu.memref_slice %arg12[%gather3A_633, %gather3A_634, %gather3A_635] : memref<8x64x128xf32, #tpu.memory_space<vmem>> -> memref<1x64x128xf32, #tpu.memory_space<vmem>>
      %gather3A_637 = tpu.memref_squeeze %gather3A_636 : memref<1x64x128xf32, #tpu.memory_space<vmem>> -> memref<64x128xf32, #tpu.memory_space<vmem>>
      %gather3A_638 = tpu.vector_load_idx %gather3A_637[%add3A_632, %add3A_173] : memref<64x128xf32, #tpu.memory_space<vmem>>[vector<16xi32>, vector<16xi32>], vector<16xf32>,
      %swap3A_639 = arith.constant 3 : i32
      %swap3A_640 = arith.constant 0 : i32
      %swap3A_641 = tpu.memref_slice %arg13[%swap3A_639, %swap3A_640] : memref<8x64xf32, #tpu.memory_space<vmem>> -> memref<1x64xf32, #tpu.memory_space<vmem>>
      %swap3A_642 = tpu.memref_squeeze %swap3A_641 : memref<1x64xf32, #tpu.memory_space<vmem>> -> memref<64xf32, #tpu.memory_space<vmem>>
      %swap3A_643 = arith.constant 48 : index
      %swap3A_644 = tpu.vector_load %swap3A_642[%swap3A_643] {strides = array<i32>} : memref<64xf32, #tpu.memory_space<vmem>>, vector<16xf32>,
      tpu.vector_store %swap3A_642[%swap3A_643], %gather3A_638 {strides = array<i32>} : memref<64xf32, #tpu.memory_space<vmem>>, vector<16xf32>,
      %dma_wait3A_645 = arith.constant 4 : i32
      %dma_wait3A_646 = arith.constant 0 : i32
      %dma_wait3A_647 = arith.constant 0 : i32
      %dma_wait3A_648 = tpu.memref_slice %arg12[%dma_wait3A_645, %dma_wait3A_646, %dma_wait3A_647] : memref<8x64x128xf32, #tpu.memory_space<vmem>> -> memref<1x64x128xf32, #tpu.memory_space<vmem>>
      %dma_wait3A_649 = tpu.memref_squeeze %dma_wait3A_648 : memref<1x64x128xf32, #tpu.memory_space<vmem>> -> memref<64x128xf32, #tpu.memory_space<vmem>>
      %dma_wait3A_650 = arith.constant 0 : i32
      %dma_wait3A_651 = tpu.memref_slice %arg5[%dma_wait3A_650, %multiple_of3A_210] : memref<64x100000xf32, #tpu.memory_space<hbm>> -> memref<64x128xf32, #tpu.memory_space<hbm>>
      %dma_wait3A_652 = arith.constant 0 : i32
      %dma_wait3A_653 = arith.constant 0 : i32
      %dma_wait3A_654 = tpu.memref_slice %arg12[%dma_wait3A_645, %dma_wait3A_652, %dma_wait3A_653] : memref<8x64x128xf32, #tpu.memory_space<vmem>> -> memref<1x64x128xf32, #tpu.memory_space<vmem>>
      %dma_wait3A_655 = tpu.memref_squeeze %dma_wait3A_654 : memref<1x64x128xf32, #tpu.memory_space<vmem>> -> memref<64x128xf32, #tpu.memory_space<vmem>>
      %dma_wait3A_656 = arith.constant 0 : i32
      %dma_wait3A_657 = tpu.memref_slice %arg5[%dma_wait3A_656, %multiple_of3A_210] : memref<64x100000xf32, #tpu.memory_space<hbm>> -> memref<64x128xf32, #tpu.memory_space<hbm>>
      tpu.wait_dma2 semaphore(%arg14 : memref<!tpu.dma_semaphore, #tpu.memory_space<semaphore_mem>>) src(%dma_wait3A_657 : memref<64x128xf32, #tpu.memory_space<hbm>>) dst(%dma_wait3A_655 : memref<64x128xf32, #tpu.memory_space<vmem>>)
      %iota3A_658 = tpu.iota {dimensions = array<i32: 0>} : vector<16xi32>
      %add3A_659 = arith.constant 0 : i32
      %add3A_660 = vector.broadcast %add3A_659 : i32 to vector<16xi32>
      %add3A_661 = arith.addi %iota3A_658, %add3A_660 : vector<16xi32>
      %gather3A_662 = arith.constant 4 : i32
      %gather3A_663 = arith.constant 0 : i32
      %gather3A_664 = arith.constant 0 : i32
      %gather3A_665 = tpu.memref_slice %arg12[%gather3A_662, %gather3A_663, %gather3A_664] : memref<8x64x128xf32, #tpu.memory_space<vmem>> -> memref<1x64x128xf32, #tpu.memory_space<vmem>>
      %gather3A_666 = tpu.memref_squeeze %gather3A_665 : memref<1x64x128xf32, #tpu.memory_space<vmem>> -> memref<64x128xf32, #tpu.memory_space<vmem>>
      %gather3A_667 = tpu.vector_load_idx %gather3A_666[%add3A_661, %add3A_214] : memref<64x128xf32, #tpu.memory_space<vmem>>[vector<16xi32>, vector<16xi32>], vector<16xf32>,
      %swap3A_668 = arith.constant 4 : i32
      %swap3A_669 = arith.constant 0 : i32
      %swap3A_670 = tpu.memref_slice %arg13[%swap3A_668, %swap3A_669] : memref<8x64xf32, #tpu.memory_space<vmem>> -> memref<1x64xf32, #tpu.memory_space<vmem>>
      %swap3A_671 = tpu.memref_squeeze %swap3A_670 : memref<1x64xf32, #tpu.memory_space<vmem>> -> memref<64xf32, #tpu.memory_space<vmem>>
      %swap3A_672 = arith.constant 0 : index
      %swap3A_673 = tpu.vector_load %swap3A_671[%swap3A_672] {strides = array<i32>} : memref<64xf32, #tpu.memory_space<vmem>>, vector<16xf32>,
      tpu.vector_store %swap3A_671[%swap3A_672], %gather3A_667 {strides = array<i32>} : memref<64xf32, #tpu.memory_space<vmem>>, vector<16xf32>,
      %add3A_674 = arith.constant 16 : i32
      %add3A_675 = vector.broadcast %add3A_674 : i32 to vector<16xi32>
      %add3A_676 = arith.addi %iota3A_658, %add3A_675 : vector<16xi32>
      %gather3A_677 = arith.constant 4 : i32
      %gather3A_678 = arith.constant 0 : i32
      %gather3A_679 = arith.constant 0 : i32
      %gather3A_680 = tpu.memref_slice %arg12[%gather3A_677, %gather3A_678, %gather3A_679] : memref<8x64x128xf32, #tpu.memory_space<vmem>> -> memref<1x64x128xf32, #tpu.memory_space<vmem>>
      %gather3A_681 = tpu.memref_squeeze %gather3A_680 : memref<1x64x128xf32, #tpu.memory_space<vmem>> -> memref<64x128xf32, #tpu.memory_space<vmem>>
      %gather3A_682 = tpu.vector_load_idx %gather3A_681[%add3A_676, %add3A_214] : memref<64x128xf32, #tpu.memory_space<vmem>>[vector<16xi32>, vector<16xi32>], vector<16xf32>,
      %swap3A_683 = arith.constant 4 : i32
      %swap3A_684 = arith.constant 0 : i32
      %swap3A_685 = tpu.memref_slice %arg13[%swap3A_683, %swap3A_684] : memref<8x64xf32, #tpu.memory_space<vmem>> -> memref<1x64xf32, #tpu.memory_space<vmem>>
      %swap3A_686 = tpu.memref_squeeze %swap3A_685 : memref<1x64xf32, #tpu.memory_space<vmem>> -> memref<64xf32, #tpu.memory_space<vmem>>
      %swap3A_687 = arith.constant 16 : index
      %swap3A_688 = tpu.vector_load %swap3A_686[%swap3A_687] {strides = array<i32>} : memref<64xf32, #tpu.memory_space<vmem>>, vector<16xf32>,
      tpu.vector_store %swap3A_686[%swap3A_687], %gather3A_682 {strides = array<i32>} : memref<64xf32, #tpu.memory_space<vmem>>, vector<16xf32>,
      %add3A_689 = arith.constant 32 : i32
      %add3A_690 = vector.broadcast %add3A_689 : i32 to vector<16xi32>
      %add3A_691 = arith.addi %iota3A_658, %add3A_690 : vector<16xi32>
      %gather3A_692 = arith.constant 4 : i32
      %gather3A_693 = arith.constant 0 : i32
      %gather3A_694 = arith.constant 0 : i32
      %gather3A_695 = tpu.memref_slice %arg12[%gather3A_692, %gather3A_693, %gather3A_694] : memref<8x64x128xf32, #tpu.memory_space<vmem>> -> memref<1x64x128xf32, #tpu.memory_space<vmem>>
      %gather3A_696 = tpu.memref_squeeze %gather3A_695 : memref<1x64x128xf32, #tpu.memory_space<vmem>> -> memref<64x128xf32, #tpu.memory_space<vmem>>
      %gather3A_697 = tpu.vector_load_idx %gather3A_696[%add3A_691, %add3A_214] : memref<64x128xf32, #tpu.memory_space<vmem>>[vector<16xi32>, vector<16xi32>], vector<16xf32>,
      %swap3A_698 = arith.constant 4 : i32
      %swap3A_699 = arith.constant 0 : i32
      %swap3A_700 = tpu.memref_slice %arg13[%swap3A_698, %swap3A_699] : memref<8x64xf32, #tpu.memory_space<vmem>> -> memref<1x64xf32, #tpu.memory_space<vmem>>
      %swap3A_701 = tpu.memref_squeeze %swap3A_700 : memref<1x64xf32, #tpu.memory_space<vmem>> -> memref<64xf32, #tpu.memory_space<vmem>>
      %swap3A_702 = arith.constant 32 : index
      %swap3A_703 = tpu.vector_load %swap3A_701[%swap3A_702] {strides = array<i32>} : memref<64xf32, #tpu.memory_space<vmem>>, vector<16xf32>,
      tpu.vector_store %swap3A_701[%swap3A_702], %gather3A_697 {strides = array<i32>} : memref<64xf32, #tpu.memory_space<vmem>>, vector<16xf32>,
      %add3A_704 = arith.constant 48 : i32
      %add3A_705 = vector.broadcast %add3A_704 : i32 to vector<16xi32>
      %add3A_706 = arith.addi %iota3A_658, %add3A_705 : vector<16xi32>
      %gather3A_707 = arith.constant 4 : i32
      %gather3A_708 = arith.constant 0 : i32
      %gather3A_709 = arith.constant 0 : i32
      %gather3A_710 = tpu.memref_slice %arg12[%gather3A_707, %gather3A_708, %gather3A_709] : memref<8x64x128xf32, #tpu.memory_space<vmem>> -> memref<1x64x128xf32, #tpu.memory_space<vmem>>
      %gather3A_711 = tpu.memref_squeeze %gather3A_710 : memref<1x64x128xf32, #tpu.memory_space<vmem>> -> memref<64x128xf32, #tpu.memory_space<vmem>>
      %gather3A_712 = tpu.vector_load_idx %gather3A_711[%add3A_706, %add3A_214] : memref<64x128xf32, #tpu.memory_space<vmem>>[vector<16xi32>, vector<16xi32>], vector<16xf32>,
      %swap3A_713 = arith.constant 4 : i32
      %swap3A_714 = arith.constant 0 : i32
      %swap3A_715 = tpu.memref_slice %arg13[%swap3A_713, %swap3A_714] : memref<8x64xf32, #tpu.memory_space<vmem>> -> memref<1x64xf32, #tpu.memory_space<vmem>>
      %swap3A_716 = tpu.memref_squeeze %swap3A_715 : memref<1x64xf32, #tpu.memory_space<vmem>> -> memref<64xf32, #tpu.memory_space<vmem>>
      %swap3A_717 = arith.constant 48 : index
      %swap3A_718 = tpu.vector_load %swap3A_716[%swap3A_717] {strides = array<i32>} : memref<64xf32, #tpu.memory_space<vmem>>, vector<16xf32>,
      tpu.vector_store %swap3A_716[%swap3A_717], %gather3A_712 {strides = array<i32>} : memref<64xf32, #tpu.memory_space<vmem>>, vector<16xf32>,
      %dma_wait3A_719 = arith.constant 5 : i32
      %dma_wait3A_720 = arith.constant 0 : i32
      %dma_wait3A_721 = arith.constant 0 : i32
      %dma_wait3A_722 = tpu.memref_slice %arg12[%dma_wait3A_719, %dma_wait3A_720, %dma_wait3A_721] : memref<8x64x128xf32, #tpu.memory_space<vmem>> -> memref<1x64x128xf32, #tpu.memory_space<vmem>>
      %dma_wait3A_723 = tpu.memref_squeeze %dma_wait3A_722 : memref<1x64x128xf32, #tpu.memory_space<vmem>> -> memref<64x128xf32, #tpu.memory_space<vmem>>
      %dma_wait3A_724 = arith.constant 0 : i32
      %dma_wait3A_725 = tpu.memref_slice %arg5[%dma_wait3A_724, %multiple_of3A_251] : memref<64x100000xf32, #tpu.memory_space<hbm>> -> memref<64x128xf32, #tpu.memory_space<hbm>>
      %dma_wait3A_726 = arith.constant 0 : i32
      %dma_wait3A_727 = arith.constant 0 : i32
      %dma_wait3A_728 = tpu.memref_slice %arg12[%dma_wait3A_719, %dma_wait3A_726, %dma_wait3A_727] : memref<8x64x128xf32, #tpu.memory_space<vmem>> -> memref<1x64x128xf32, #tpu.memory_space<vmem>>
      %dma_wait3A_729 = tpu.memref_squeeze %dma_wait3A_728 : memref<1x64x128xf32, #tpu.memory_space<vmem>> -> memref<64x128xf32, #tpu.memory_space<vmem>>
      %dma_wait3A_730 = arith.constant 0 : i32
      %dma_wait3A_731 = tpu.memref_slice %arg5[%dma_wait3A_730, %multiple_of3A_251] : memref<64x100000xf32, #tpu.memory_space<hbm>> -> memref<64x128xf32, #tpu.memory_space<hbm>>
      tpu.wait_dma2 semaphore(%arg14 : memref<!tpu.dma_semaphore, #tpu.memory_space<semaphore_mem>>) src(%dma_wait3A_731 : memref<64x128xf32, #tpu.memory_space<hbm>>) dst(%dma_wait3A_729 : memref<64x128xf32, #tpu.memory_space<vmem>>)
      %iota3A_732 = tpu.iota {dimensions = array<i32: 0>} : vector<16xi32>
      %add3A_733 = arith.constant 0 : i32
      %add3A_734 = vector.broadcast %add3A_733 : i32 to vector<16xi32>
      %add3A_735 = arith.addi %iota3A_732, %add3A_734 : vector<16xi32>
      %gather3A_736 = arith.constant 5 : i32
      %gather3A_737 = arith.constant 0 : i32
      %gather3A_738 = arith.constant 0 : i32
      %gather3A_739 = tpu.memref_slice %arg12[%gather3A_736, %gather3A_737, %gather3A_738] : memref<8x64x128xf32, #tpu.memory_space<vmem>> -> memref<1x64x128xf32, #tpu.memory_space<vmem>>
      %gather3A_740 = tpu.memref_squeeze %gather3A_739 : memref<1x64x128xf32, #tpu.memory_space<vmem>> -> memref<64x128xf32, #tpu.memory_space<vmem>>
      %gather3A_741 = tpu.vector_load_idx %gather3A_740[%add3A_735, %add3A_255] : memref<64x128xf32, #tpu.memory_space<vmem>>[vector<16xi32>, vector<16xi32>], vector<16xf32>,
      %swap3A_742 = arith.constant 5 : i32
      %swap3A_743 = arith.constant 0 : i32
      %swap3A_744 = tpu.memref_slice %arg13[%swap3A_742, %swap3A_743] : memref<8x64xf32, #tpu.memory_space<vmem>> -> memref<1x64xf32, #tpu.memory_space<vmem>>
      %swap3A_745 = tpu.memref_squeeze %swap3A_744 : memref<1x64xf32, #tpu.memory_space<vmem>> -> memref<64xf32, #tpu.memory_space<vmem>>
      %swap3A_746 = arith.constant 0 : index
      %swap3A_747 = tpu.vector_load %swap3A_745[%swap3A_746] {strides = array<i32>} : memref<64xf32, #tpu.memory_space<vmem>>, vector<16xf32>,
      tpu.vector_store %swap3A_745[%swap3A_746], %gather3A_741 {strides = array<i32>} : memref<64xf32, #tpu.memory_space<vmem>>, vector<16xf32>,
      %add3A_748 = arith.constant 16 : i32
      %add3A_749 = vector.broadcast %add3A_748 : i32 to vector<16xi32>
      %add3A_750 = arith.addi %iota3A_732, %add3A_749 : vector<16xi32>
      %gather3A_751 = arith.constant 5 : i32
      %gather3A_752 = arith.constant 0 : i32
      %gather3A_753 = arith.constant 0 : i32
      %gather3A_754 = tpu.memref_slice %arg12[%gather3A_751, %gather3A_752, %gather3A_753] : memref<8x64x128xf32, #tpu.memory_space<vmem>> -> memref<1x64x128xf32, #tpu.memory_space<vmem>>
      %gather3A_755 = tpu.memref_squeeze %gather3A_754 : memref<1x64x128xf32, #tpu.memory_space<vmem>> -> memref<64x128xf32, #tpu.memory_space<vmem>>
      %gather3A_756 = tpu.vector_load_idx %gather3A_755[%add3A_750, %add3A_255] : memref<64x128xf32, #tpu.memory_space<vmem>>[vector<16xi32>, vector<16xi32>], vector<16xf32>,
      %swap3A_757 = arith.constant 5 : i32
      %swap3A_758 = arith.constant 0 : i32
      %swap3A_759 = tpu.memref_slice %arg13[%swap3A_757, %swap3A_758] : memref<8x64xf32, #tpu.memory_space<vmem>> -> memref<1x64xf32, #tpu.memory_space<vmem>>
      %swap3A_760 = tpu.memref_squeeze %swap3A_759 : memref<1x64xf32, #tpu.memory_space<vmem>> -> memref<64xf32, #tpu.memory_space<vmem>>
      %swap3A_761 = arith.constant 16 : index
      %swap3A_762 = tpu.vector_load %swap3A_760[%swap3A_761] {strides = array<i32>} : memref<64xf32, #tpu.memory_space<vmem>>, vector<16xf32>,
      tpu.vector_store %swap3A_760[%swap3A_761], %gather3A_756 {strides = array<i32>} : memref<64xf32, #tpu.memory_space<vmem>>, vector<16xf32>,
      %add3A_763 = arith.constant 32 : i32
      %add3A_764 = vector.broadcast %add3A_763 : i32 to vector<16xi32>
      %add3A_765 = arith.addi %iota3A_732, %add3A_764 : vector<16xi32>
      %gather3A_766 = arith.constant 5 : i32
      %gather3A_767 = arith.constant 0 : i32
      %gather3A_768 = arith.constant 0 : i32
      %gather3A_769 = tpu.memref_slice %arg12[%gather3A_766, %gather3A_767, %gather3A_768] : memref<8x64x128xf32, #tpu.memory_space<vmem>> -> memref<1x64x128xf32, #tpu.memory_space<vmem>>
      %gather3A_770 = tpu.memref_squeeze %gather3A_769 : memref<1x64x128xf32, #tpu.memory_space<vmem>> -> memref<64x128xf32, #tpu.memory_space<vmem>>
      %gather3A_771 = tpu.vector_load_idx %gather3A_770[%add3A_765, %add3A_255] : memref<64x128xf32, #tpu.memory_space<vmem>>[vector<16xi32>, vector<16xi32>], vector<16xf32>,
      %swap3A_772 = arith.constant 5 : i32
      %swap3A_773 = arith.constant 0 : i32
      %swap3A_774 = tpu.memref_slice %arg13[%swap3A_772, %swap3A_773] : memref<8x64xf32, #tpu.memory_space<vmem>> -> memref<1x64xf32, #tpu.memory_space<vmem>>
      %swap3A_775 = tpu.memref_squeeze %swap3A_774 : memref<1x64xf32, #tpu.memory_space<vmem>> -> memref<64xf32, #tpu.memory_space<vmem>>
      %swap3A_776 = arith.constant 32 : index
      %swap3A_777 = tpu.vector_load %swap3A_775[%swap3A_776] {strides = array<i32>} : memref<64xf32, #tpu.memory_space<vmem>>, vector<16xf32>,
      tpu.vector_store %swap3A_775[%swap3A_776], %gather3A_771 {strides = array<i32>} : memref<64xf32, #tpu.memory_space<vmem>>, vector<16xf32>,
      %add3A_778 = arith.constant 48 : i32
      %add3A_779 = vector.broadcast %add3A_778 : i32 to vector<16xi32>
      %add3A_780 = arith.addi %iota3A_732, %add3A_779 : vector<16xi32>
      %gather3A_781 = arith.constant 5 : i32
      %gather3A_782 = arith.constant 0 : i32
      %gather3A_783 = arith.constant 0 : i32
      %gather3A_784 = tpu.memref_slice %arg12[%gather3A_781, %gather3A_782, %gather3A_783] : memref<8x64x128xf32, #tpu.memory_space<vmem>> -> memref<1x64x128xf32, #tpu.memory_space<vmem>>
      %gather3A_785 = tpu.memref_squeeze %gather3A_784 : memref<1x64x128xf32, #tpu.memory_space<vmem>> -> memref<64x128xf32, #tpu.memory_space<vmem>>
      %gather3A_786 = tpu.vector_load_idx %gather3A_785[%add3A_780, %add3A_255] : memref<64x128xf32, #tpu.memory_space<vmem>>[vector<16xi32>, vector<16xi32>], vector<16xf32>,
      %swap3A_787 = arith.constant 5 : i32
      %swap3A_788 = arith.constant 0 : i32
      %swap3A_789 = tpu.memref_slice %arg13[%swap3A_787, %swap3A_788] : memref<8x64xf32, #tpu.memory_space<vmem>> -> memref<1x64xf32, #tpu.memory_space<vmem>>
      %swap3A_790 = tpu.memref_squeeze %swap3A_789 : memref<1x64xf32, #tpu.memory_space<vmem>> -> memref<64xf32, #tpu.memory_space<vmem>>
      %swap3A_791 = arith.constant 48 : index
      %swap3A_792 = tpu.vector_load %swap3A_790[%swap3A_791] {strides = array<i32>} : memref<64xf32, #tpu.memory_space<vmem>>, vector<16xf32>,
      tpu.vector_store %swap3A_790[%swap3A_791], %gather3A_786 {strides = array<i32>} : memref<64xf32, #tpu.memory_space<vmem>>, vector<16xf32>,
      %dma_wait3A_793 = arith.constant 6 : i32
      %dma_wait3A_794 = arith.constant 0 : i32
      %dma_wait3A_795 = arith.constant 0 : i32
      %dma_wait3A_796 = tpu.memref_slice %arg12[%dma_wait3A_793, %dma_wait3A_794, %dma_wait3A_795] : memref<8x64x128xf32, #tpu.memory_space<vmem>> -> memref<1x64x128xf32, #tpu.memory_space<vmem>>
      %dma_wait3A_797 = tpu.memref_squeeze %dma_wait3A_796 : memref<1x64x128xf32, #tpu.memory_space<vmem>> -> memref<64x128xf32, #tpu.memory_space<vmem>>
      %dma_wait3A_798 = arith.constant 0 : i32
      %dma_wait3A_799 = tpu.memref_slice %arg5[%dma_wait3A_798, %multiple_of3A_292] : memref<64x100000xf32, #tpu.memory_space<hbm>> -> memref<64x128xf32, #tpu.memory_space<hbm>>
      %dma_wait3A_800 = arith.constant 0 : i32
      %dma_wait3A_801 = arith.constant 0 : i32
      %dma_wait3A_802 = tpu.memref_slice %arg12[%dma_wait3A_793, %dma_wait3A_800, %dma_wait3A_801] : memref<8x64x128xf32, #tpu.memory_space<vmem>> -> memref<1x64x128xf32, #tpu.memory_space<vmem>>
      %dma_wait3A_803 = tpu.memref_squeeze %dma_wait3A_802 : memref<1x64x128xf32, #tpu.memory_space<vmem>> -> memref<64x128xf32, #tpu.memory_space<vmem>>
      %dma_wait3A_804 = arith.constant 0 : i32
      %dma_wait3A_805 = tpu.memref_slice %arg5[%dma_wait3A_804, %multiple_of3A_292] : memref<64x100000xf32, #tpu.memory_space<hbm>> -> memref<64x128xf32, #tpu.memory_space<hbm>>
      tpu.wait_dma2 semaphore(%arg14 : memref<!tpu.dma_semaphore, #tpu.memory_space<semaphore_mem>>) src(%dma_wait3A_805 : memref<64x128xf32, #tpu.memory_space<hbm>>) dst(%dma_wait3A_803 : memref<64x128xf32, #tpu.memory_space<vmem>>)
      %iota3A_806 = tpu.iota {dimensions = array<i32: 0>} : vector<16xi32>
      %add3A_807 = arith.constant 0 : i32
      %add3A_808 = vector.broadcast %add3A_807 : i32 to vector<16xi32>
      %add3A_809 = arith.addi %iota3A_806, %add3A_808 : vector<16xi32>
      %gather3A_810 = arith.constant 6 : i32
      %gather3A_811 = arith.constant 0 : i32
      %gather3A_812 = arith.constant 0 : i32
      %gather3A_813 = tpu.memref_slice %arg12[%gather3A_810, %gather3A_811, %gather3A_812] : memref<8x64x128xf32, #tpu.memory_space<vmem>> -> memref<1x64x128xf32, #tpu.memory_space<vmem>>
      %gather3A_814 = tpu.memref_squeeze %gather3A_813 : memref<1x64x128xf32, #tpu.memory_space<vmem>> -> memref<64x128xf32, #tpu.memory_space<vmem>>
      %gather3A_815 = tpu.vector_load_idx %gather3A_814[%add3A_809, %add3A_296] : memref<64x128xf32, #tpu.memory_space<vmem>>[vector<16xi32>, vector<16xi32>], vector<16xf32>,
      %swap3A_816 = arith.constant 6 : i32
      %swap3A_817 = arith.constant 0 : i32
      %swap3A_818 = tpu.memref_slice %arg13[%swap3A_816, %swap3A_817] : memref<8x64xf32, #tpu.memory_space<vmem>> -> memref<1x64xf32, #tpu.memory_space<vmem>>
      %swap3A_819 = tpu.memref_squeeze %swap3A_818 : memref<1x64xf32, #tpu.memory_space<vmem>> -> memref<64xf32, #tpu.memory_space<vmem>>
      %swap3A_820 = arith.constant 0 : index
      %swap3A_821 = tpu.vector_load %swap3A_819[%swap3A_820] {strides = array<i32>} : memref<64xf32, #tpu.memory_space<vmem>>, vector<16xf32>,
      tpu.vector_store %swap3A_819[%swap3A_820], %gather3A_815 {strides = array<i32>} : memref<64xf32, #tpu.memory_space<vmem>>, vector<16xf32>,
      %add3A_822 = arith.constant 16 : i32
      %add3A_823 = vector.broadcast %add3A_822 : i32 to vector<16xi32>
      %add3A_824 = arith.addi %iota3A_806, %add3A_823 : vector<16xi32>
      %gather3A_825 = arith.constant 6 : i32
      %gather3A_826 = arith.constant 0 : i32
      %gather3A_827 = arith.constant 0 : i32
      %gather3A_828 = tpu.memref_slice %arg12[%gather3A_825, %gather3A_826, %gather3A_827] : memref<8x64x128xf32, #tpu.memory_space<vmem>> -> memref<1x64x128xf32, #tpu.memory_space<vmem>>
      %gather3A_829 = tpu.memref_squeeze %gather3A_828 : memref<1x64x128xf32, #tpu.memory_space<vmem>> -> memref<64x128xf32, #tpu.memory_space<vmem>>
      %gather3A_830 = tpu.vector_load_idx %gather3A_829[%add3A_824, %add3A_296] : memref<64x128xf32, #tpu.memory_space<vmem>>[vector<16xi32>, vector<16xi32>], vector<16xf32>,
      %swap3A_831 = arith.constant 6 : i32
      %swap3A_832 = arith.constant 0 : i32
      %swap3A_833 = tpu.memref_slice %arg13[%swap3A_831, %swap3A_832] : memref<8x64xf32, #tpu.memory_space<vmem>> -> memref<1x64xf32, #tpu.memory_space<vmem>>
      %swap3A_834 = tpu.memref_squeeze %swap3A_833 : memref<1x64xf32, #tpu.memory_space<vmem>> -> memref<64xf32, #tpu.memory_space<vmem>>
      %swap3A_835 = arith.constant 16 : index
      %swap3A_836 = tpu.vector_load %swap3A_834[%swap3A_835] {strides = array<i32>} : memref<64xf32, #tpu.memory_space<vmem>>, vector<16xf32>,
      tpu.vector_store %swap3A_834[%swap3A_835], %gather3A_830 {strides = array<i32>} : memref<64xf32, #tpu.memory_space<vmem>>, vector<16xf32>,
      %add3A_837 = arith.constant 32 : i32
      %add3A_838 = vector.broadcast %add3A_837 : i32 to vector<16xi32>
      %add3A_839 = arith.addi %iota3A_806, %add3A_838 : vector<16xi32>
      %gather3A_840 = arith.constant 6 : i32
      %gather3A_841 = arith.constant 0 : i32
      %gather3A_842 = arith.constant 0 : i32
      %gather3A_843 = tpu.memref_slice %arg12[%gather3A_840, %gather3A_841, %gather3A_842] : memref<8x64x128xf32, #tpu.memory_space<vmem>> -> memref<1x64x128xf32, #tpu.memory_space<vmem>>
      %gather3A_844 = tpu.memref_squeeze %gather3A_843 : memref<1x64x128xf32, #tpu.memory_space<vmem>> -> memref<64x128xf32, #tpu.memory_space<vmem>>
      %gather3A_845 = tpu.vector_load_idx %gather3A_844[%add3A_839, %add3A_296] : memref<64x128xf32, #tpu.memory_space<vmem>>[vector<16xi32>, vector<16xi32>], vector<16xf32>,
      %swap3A_846 = arith.constant 6 : i32
      %swap3A_847 = arith.constant 0 : i32
      %swap3A_848 = tpu.memref_slice %arg13[%swap3A_846, %swap3A_847] : memref<8x64xf32, #tpu.memory_space<vmem>> -> memref<1x64xf32, #tpu.memory_space<vmem>>
      %swap3A_849 = tpu.memref_squeeze %swap3A_848 : memref<1x64xf32, #tpu.memory_space<vmem>> -> memref<64xf32, #tpu.memory_space<vmem>>
      %swap3A_850 = arith.constant 32 : index
      %swap3A_851 = tpu.vector_load %swap3A_849[%swap3A_850] {strides = array<i32>} : memref<64xf32, #tpu.memory_space<vmem>>, vector<16xf32>,
      tpu.vector_store %swap3A_849[%swap3A_850], %gather3A_845 {strides = array<i32>} : memref<64xf32, #tpu.memory_space<vmem>>, vector<16xf32>,
      %add3A_852 = arith.constant 48 : i32
      %add3A_853 = vector.broadcast %add3A_852 : i32 to vector<16xi32>
      %add3A_854 = arith.addi %iota3A_806, %add3A_853 : vector<16xi32>
      %gather3A_855 = arith.constant 6 : i32
      %gather3A_856 = arith.constant 0 : i32
      %gather3A_857 = arith.constant 0 : i32
      %gather3A_858 = tpu.memref_slice %arg12[%gather3A_855, %gather3A_856, %gather3A_857] : memref<8x64x128xf32, #tpu.memory_space<vmem>> -> memref<1x64x128xf32, #tpu.memory_space<vmem>>
      %gather3A_859 = tpu.memref_squeeze %gather3A_858 : memref<1x64x128xf32, #tpu.memory_space<vmem>> -> memref<64x128xf32, #tpu.memory_space<vmem>>
      %gather3A_860 = tpu.vector_load_idx %gather3A_859[%add3A_854, %add3A_296] : memref<64x128xf32, #tpu.memory_space<vmem>>[vector<16xi32>, vector<16xi32>], vector<16xf32>,
      %swap3A_861 = arith.constant 6 : i32
      %swap3A_862 = arith.constant 0 : i32
      %swap3A_863 = tpu.memref_slice %arg13[%swap3A_861, %swap3A_862] : memref<8x64xf32, #tpu.memory_space<vmem>> -> memref<1x64xf32, #tpu.memory_space<vmem>>
      %swap3A_864 = tpu.memref_squeeze %swap3A_863 : memref<1x64xf32, #tpu.memory_space<vmem>> -> memref<64xf32, #tpu.memory_space<vmem>>
      %swap3A_865 = arith.constant 48 : index
      %swap3A_866 = tpu.vector_load %swap3A_864[%swap3A_865] {strides = array<i32>} : memref<64xf32, #tpu.memory_space<vmem>>, vector<16xf32>,
      tpu.vector_store %swap3A_864[%swap3A_865], %gather3A_860 {strides = array<i32>} : memref<64xf32, #tpu.memory_space<vmem>>, vector<16xf32>,
      %dma_wait3A_867 = arith.constant 7 : i32
      %dma_wait3A_868 = arith.constant 0 : i32
      %dma_wait3A_869 = arith.constant 0 : i32
      %dma_wait3A_870 = tpu.memref_slice %arg12[%dma_wait3A_867, %dma_wait3A_868, %dma_wait3A_869] : memref<8x64x128xf32, #tpu.memory_space<vmem>> -> memref<1x64x128xf32, #tpu.memory_space<vmem>>
      %dma_wait3A_871 = tpu.memref_squeeze %dma_wait3A_870 : memref<1x64x128xf32, #tpu.memory_space<vmem>> -> memref<64x128xf32, #tpu.memory_space<vmem>>
      %dma_wait3A_872 = arith.constant 0 : i32
      %dma_wait3A_873 = tpu.memref_slice %arg5[%dma_wait3A_872, %multiple_of3A_333] : memref<64x100000xf32, #tpu.memory_space<hbm>> -> memref<64x128xf32, #tpu.memory_space<hbm>>
      %dma_wait3A_874 = arith.constant 0 : i32
      %dma_wait3A_875 = arith.constant 0 : i32
      %dma_wait3A_876 = tpu.memref_slice %arg12[%dma_wait3A_867, %dma_wait3A_874, %dma_wait3A_875] : memref<8x64x128xf32, #tpu.memory_space<vmem>> -> memref<1x64x128xf32, #tpu.memory_space<vmem>>
      %dma_wait3A_877 = tpu.memref_squeeze %dma_wait3A_876 : memref<1x64x128xf32, #tpu.memory_space<vmem>> -> memref<64x128xf32, #tpu.memory_space<vmem>>
      %dma_wait3A_878 = arith.constant 0 : i32
      %dma_wait3A_879 = tpu.memref_slice %arg5[%dma_wait3A_878, %multiple_of3A_333] : memref<64x100000xf32, #tpu.memory_space<hbm>> -> memref<64x128xf32, #tpu.memory_space<hbm>>
      tpu.wait_dma2 semaphore(%arg14 : memref<!tpu.dma_semaphore, #tpu.memory_space<semaphore_mem>>) src(%dma_wait3A_879 : memref<64x128xf32, #tpu.memory_space<hbm>>) dst(%dma_wait3A_877 : memref<64x128xf32, #tpu.memory_space<vmem>>)
      %iota3A_880 = tpu.iota {dimensions = array<i32: 0>} : vector<16xi32>
      %add3A_881 = arith.constant 0 : i32
      %add3A_882 = vector.broadcast %add3A_881 : i32 to vector<16xi32>
      %add3A_883 = arith.addi %iota3A_880, %add3A_882 : vector<16xi32>
      %gather3A_884 = arith.constant 7 : i32
      %gather3A_885 = arith.constant 0 : i32
      %gather3A_886 = arith.constant 0 : i32
      %gather3A_887 = tpu.memref_slice %arg12[%gather3A_884, %gather3A_885, %gather3A_886] : memref<8x64x128xf32, #tpu.memory_space<vmem>> -> memref<1x64x128xf32, #tpu.memory_space<vmem>>
      %gather3A_888 = tpu.memref_squeeze %gather3A_887 : memref<1x64x128xf32, #tpu.memory_space<vmem>> -> memref<64x128xf32, #tpu.memory_space<vmem>>
      %gather3A_889 = tpu.vector_load_idx %gather3A_888[%add3A_883, %add3A_337] : memref<64x128xf32, #tpu.memory_space<vmem>>[vector<16xi32>, vector<16xi32>], vector<16xf32>,
      %swap3A_890 = arith.constant 7 : i32
      %swap3A_891 = arith.constant 0 : i32
      %swap3A_892 = tpu.memref_slice %arg13[%swap3A_890, %swap3A_891] : memref<8x64xf32, #tpu.memory_space<vmem>> -> memref<1x64xf32, #tpu.memory_space<vmem>>
      %swap3A_893 = tpu.memref_squeeze %swap3A_892 : memref<1x64xf32, #tpu.memory_space<vmem>> -> memref<64xf32, #tpu.memory_space<vmem>>
      %swap3A_894 = arith.constant 0 : index
      %swap3A_895 = tpu.vector_load %swap3A_893[%swap3A_894] {strides = array<i32>} : memref<64xf32, #tpu.memory_space<vmem>>, vector<16xf32>,
      tpu.vector_store %swap3A_893[%swap3A_894], %gather3A_889 {strides = array<i32>} : memref<64xf32, #tpu.memory_space<vmem>>, vector<16xf32>,
      %add3A_896 = arith.constant 16 : i32
      %add3A_897 = vector.broadcast %add3A_896 : i32 to vector<16xi32>
      %add3A_898 = arith.addi %iota3A_880, %add3A_897 : vector<16xi32>
      %gather3A_899 = arith.constant 7 : i32
      %gather3A_900 = arith.constant 0 : i32
      %gather3A_901 = arith.constant 0 : i32
      %gather3A_902 = tpu.memref_slice %arg12[%gather3A_899, %gather3A_900, %gather3A_901] : memref<8x64x128xf32, #tpu.memory_space<vmem>> -> memref<1x64x128xf32, #tpu.memory_space<vmem>>
      %gather3A_903 = tpu.memref_squeeze %gather3A_902 : memref<1x64x128xf32, #tpu.memory_space<vmem>> -> memref<64x128xf32, #tpu.memory_space<vmem>>
      %gather3A_904 = tpu.vector_load_idx %gather3A_903[%add3A_898, %add3A_337] : memref<64x128xf32, #tpu.memory_space<vmem>>[vector<16xi32>, vector<16xi32>], vector<16xf32>,
      %swap3A_905 = arith.constant 7 : i32
      %swap3A_906 = arith.constant 0 : i32
      %swap3A_907 = tpu.memref_slice %arg13[%swap3A_905, %swap3A_906] : memref<8x64xf32, #tpu.memory_space<vmem>> -> memref<1x64xf32, #tpu.memory_space<vmem>>
      %swap3A_908 = tpu.memref_squeeze %swap3A_907 : memref<1x64xf32, #tpu.memory_space<vmem>> -> memref<64xf32, #tpu.memory_space<vmem>>
      %swap3A_909 = arith.constant 16 : index
      %swap3A_910 = tpu.vector_load %swap3A_908[%swap3A_909] {strides = array<i32>} : memref<64xf32, #tpu.memory_space<vmem>>, vector<16xf32>,
      tpu.vector_store %swap3A_908[%swap3A_909], %gather3A_904 {strides = array<i32>} : memref<64xf32, #tpu.memory_space<vmem>>, vector<16xf32>,
      %add3A_911 = arith.constant 32 : i32
      %add3A_912 = vector.broadcast %add3A_911 : i32 to vector<16xi32>
      %add3A_913 = arith.addi %iota3A_880, %add3A_912 : vector<16xi32>
      %gather3A_914 = arith.constant 7 : i32
      %gather3A_915 = arith.constant 0 : i32
      %gather3A_916 = arith.constant 0 : i32
      %gather3A_917 = tpu.memref_slice %arg12[%gather3A_914, %gather3A_915, %gather3A_916] : memref<8x64x128xf32, #tpu.memory_space<vmem>> -> memref<1x64x128xf32, #tpu.memory_space<vmem>>
      %gather3A_918 = tpu.memref_squeeze %gather3A_917 : memref<1x64x128xf32, #tpu.memory_space<vmem>> -> memref<64x128xf32, #tpu.memory_space<vmem>>
      %gather3A_919 = tpu.vector_load_idx %gather3A_918[%add3A_913, %add3A_337] : memref<64x128xf32, #tpu.memory_space<vmem>>[vector<16xi32>, vector<16xi32>], vector<16xf32>,
      %swap3A_920 = arith.constant 7 : i32
      %swap3A_921 = arith.constant 0 : i32
      %swap3A_922 = tpu.memref_slice %arg13[%swap3A_920, %swap3A_921] : memref<8x64xf32, #tpu.memory_space<vmem>> -> memref<1x64xf32, #tpu.memory_space<vmem>>
      %swap3A_923 = tpu.memref_squeeze %swap3A_922 : memref<1x64xf32, #tpu.memory_space<vmem>> -> memref<64xf32, #tpu.memory_space<vmem>>
      %swap3A_924 = arith.constant 32 : index
      %swap3A_925 = tpu.vector_load %swap3A_923[%swap3A_924] {strides = array<i32>} : memref<64xf32, #tpu.memory_space<vmem>>, vector<16xf32>,
      tpu.vector_store %swap3A_923[%swap3A_924], %gather3A_919 {strides = array<i32>} : memref<64xf32, #tpu.memory_space<vmem>>, vector<16xf32>,
      %add3A_926 = arith.constant 48 : i32
      %add3A_927 = vector.broadcast %add3A_926 : i32 to vector<16xi32>
      %add3A_928 = arith.addi %iota3A_880, %add3A_927 : vector<16xi32>
      %gather3A_929 = arith.constant 7 : i32
      %gather3A_930 = arith.constant 0 : i32
      %gather3A_931 = arith.constant 0 : i32
      %gather3A_932 = tpu.memref_slice %arg12[%gather3A_929, %gather3A_930, %gather3A_931] : memref<8x64x128xf32, #tpu.memory_space<vmem>> -> memref<1x64x128xf32, #tpu.memory_space<vmem>>
      %gather3A_933 = tpu.memref_squeeze %gather3A_932 : memref<1x64x128xf32, #tpu.memory_space<vmem>> -> memref<64x128xf32, #tpu.memory_space<vmem>>
      %gather3A_934 = tpu.vector_load_idx %gather3A_933[%add3A_928, %add3A_337] : memref<64x128xf32, #tpu.memory_space<vmem>>[vector<16xi32>, vector<16xi32>], vector<16xf32>,
      %swap3A_935 = arith.constant 7 : i32
      %swap3A_936 = arith.constant 0 : i32
      %swap3A_937 = tpu.memref_slice %arg13[%swap3A_935, %swap3A_936] : memref<8x64xf32, #tpu.memory_space<vmem>> -> memref<1x64xf32, #tpu.memory_space<vmem>>
      %swap3A_938 = tpu.memref_squeeze %swap3A_937 : memref<1x64xf32, #tpu.memory_space<vmem>> -> memref<64xf32, #tpu.memory_space<vmem>>
      %swap3A_939 = arith.constant 48 : index
      %swap3A_940 = tpu.vector_load %swap3A_938[%swap3A_939] {strides = array<i32>} : memref<64xf32, #tpu.memory_space<vmem>>, vector<16xf32>,
      tpu.vector_store %swap3A_938[%swap3A_939], %gather3A_934 {strides = array<i32>} : memref<64xf32, #tpu.memory_space<vmem>>, vector<16xf32>,
      %mul3A_941 = arith.constant 8 : i32
      %mul3A_942 = arith.muli %mul3A_941, %shift_right_arithmetic3A_2 : i32
      %multiple_of3A_943 = tpu.assume_multiple %mul3A_942, 8 : i32
      %eq3A_944 = arith.constant 0 : i32
      %eq3A_945 = arith.cmpi eq, %and3A_1, %eq3A_944 : i32
      %convert_element_type3A_946 = arith.extui %eq3A_945 : i1 to i32
      %cond3A_947 = arith.constant 0 : i32
      %cond3A_948 = arith.cmpi ne, %convert_element_type3A_946, %cond3A_947 : i32
      scf.if %cond3A_948 {
        "tpu.region"() ({
          %run_scoped3A = tpu.sem_alloc : memref<!tpu.dma_semaphore, #tpu.memory_space<semaphore_mem>>
          %dma_start3A_954 = arith.constant 0 : i32
          %dma_start3A_955 = tpu.memref_slice %arg8[%multiple_of3A_943, %dma_start3A_954] : memref<50x64xf32, #tpu.memory_space<hbm>> -> memref<8x64xf32, #tpu.memory_space<hbm>>
          %dma_start3A_956 = arith.constant 0 : i32
          %dma_start3A_957 = tpu.memref_slice %arg8[%multiple_of3A_943, %dma_start3A_956] : memref<50x64xf32, #tpu.memory_space<hbm>> -> memref<8x64xf32, #tpu.memory_space<hbm>>
          tpu.enqueue_dma source(%arg13 : memref<8x64xf32, #tpu.memory_space<vmem>>) target(%dma_start3A_957 : memref<8x64xf32, #tpu.memory_space<hbm>>) target_semaphore(%run_scoped3A : memref<!tpu.dma_semaphore, #tpu.memory_space<semaphore_mem>>)
          %dma_wait3A_958 = arith.constant 0 : i32
          %dma_wait3A_959 = tpu.memref_slice %arg8[%multiple_of3A_943, %dma_wait3A_958] : memref<50x64xf32, #tpu.memory_space<hbm>> -> memref<8x64xf32, #tpu.memory_space<hbm>>
          %dma_wait3A_960 = arith.constant 0 : i32
          %dma_wait3A_961 = tpu.memref_slice %arg8[%multiple_of3A_943, %dma_wait3A_960] : memref<50x64xf32, #tpu.memory_space<hbm>> -> memref<8x64xf32, #tpu.memory_space<hbm>>
          tpu.wait_dma2 semaphore(%run_scoped3A : memref<!tpu.dma_semaphore, #tpu.memory_space<semaphore_mem>>) src(%arg13 : memref<8x64xf32, #tpu.memory_space<vmem>>) dst(%dma_wait3A_961 : memref<8x64xf32, #tpu.memory_space<hbm>>)
          tpu.yield
        }) : () -> ()
      } else {
      }
      %eq3A_949 = arith.constant 1 : i32
      %eq3A_950 = arith.cmpi eq, %and3A_1, %eq3A_949 : i32
      %convert_element_type3A_951 = arith.extui %eq3A_950 : i1 to i32
      %cond3A_952 = arith.constant 0 : i32
      %cond3A_953 = arith.cmpi ne, %convert_element_type3A_951, %cond3A_952 : i32
      scf.if %cond3A_953 {
        "tpu.region"() ({
          %run_scoped3A = tpu.sem_alloc : memref<!tpu.dma_semaphore, #tpu.memory_space<semaphore_mem>>
          %dma_start3A_954 = arith.constant 0 : i32
          %dma_start3A_955 = tpu.memref_slice %arg9[%multiple_of3A_943, %dma_start3A_954] : memref<50x64xf32, #tpu.memory_space<hbm>> -> memref<8x64xf32, #tpu.memory_space<hbm>>
          %dma_start3A_956 = arith.constant 0 : i32
          %dma_start3A_957 = tpu.memref_slice %arg9[%multiple_of3A_943, %dma_start3A_956] : memref<50x64xf32, #tpu.memory_space<hbm>> -> memref<8x64xf32, #tpu.memory_space<hbm>>
          tpu.enqueue_dma source(%arg13 : memref<8x64xf32, #tpu.memory_space<vmem>>) target(%dma_start3A_957 : memref<8x64xf32, #tpu.memory_space<hbm>>) target_semaphore(%run_scoped3A : memref<!tpu.dma_semaphore, #tpu.memory_space<semaphore_mem>>)
          %dma_wait3A_958 = arith.constant 0 : i32
          %dma_wait3A_959 = tpu.memref_slice %arg9[%multiple_of3A_943, %dma_wait3A_958] : memref<50x64xf32, #tpu.memory_space<hbm>> -> memref<8x64xf32, #tpu.memory_space<hbm>>
          %dma_wait3A_960 = arith.constant 0 : i32
          %dma_wait3A_961 = tpu.memref_slice %arg9[%multiple_of3A_943, %dma_wait3A_960] : memref<50x64xf32, #tpu.memory_space<hbm>> -> memref<8x64xf32, #tpu.memory_space<hbm>>
          tpu.wait_dma2 semaphore(%run_scoped3A : memref<!tpu.dma_semaphore, #tpu.memory_space<semaphore_mem>>) src(%arg13 : memref<8x64xf32, #tpu.memory_space<vmem>>) dst(%dma_wait3A_961 : memref<8x64xf32, #tpu.memory_space<hbm>>)
          tpu.yield
        }) : () -> ()
      } else {
      }
    } else {
    }
    %eq3A = arith.constant 15 : i32
    %eq3A_7 = arith.cmpi eq, %shift_right_arithmetic3A_2, %eq3A : i32
    %convert_element_type3A_8 = arith.extui %eq3A_7 : i1 to i32
    %cond3A_9 = arith.constant 0 : i32
    %cond3A_10 = arith.cmpi ne, %convert_element_type3A_8, %cond3A_9 : i32
    scf.if %cond3A_10 {
      %add3A_11 = arith.constant 2 : i32
      %add3A_12 = arith.addi %add3A_11, %and3A_1 : i32
      %eq3A_13 = vector.broadcast %add3A_12 : i32 to vector<16xi32>
      %eq3A_14 = arith.cmpi eq, %iota3A, %eq3A_13 : vector<16xi32>
      %jit3A = arith.constant 0 : i32
      %broadcast_in_dim3A_15 = vector.broadcast %jit3A : i32 to vector<16xi32>
      %select_n3A = arith.select %eq3A_14, %get3A_3, %broadcast_in_dim3A_15 : vector<16xi1>, vector<16xi32>
      %reduce_sum3A = arith.constant true
      %reduce_sum3A_16 = vector.broadcast %reduce_sum3A : i1 to vector<16xi1>
      %reduce_sum3A_17 = tpu.scan <sum>, %select_n3A masked %reduce_sum3A_16 : vector<16xi32>, vector<16xi1> -> vector<16xi32>
      %reduce_sum3A_18 = vector.extract %reduce_sum3A_17[15] : i32 from vector<16xi32>
      %shift_right_arithmetic3A_19 = arith.constant 7 : i32
      %shift_right_arithmetic3A_20 = arith.shrsi %reduce_sum3A_18, %shift_right_arithmetic3A_19 : i32
      %shift_left3A = arith.constant 7 : i32
      %shift_left3A_21 = arith.shli %shift_right_arithmetic3A_20, %shift_left3A : i32
      %multiple_of3A = tpu.assume_multiple %shift_left3A_21, 128 : i32
      %and3A_22 = arith.constant 127 : i32
      %and3A_23 = arith.andi %reduce_sum3A_18, %and3A_22 : i32
      %add3A_24 = vector.broadcast %and3A_23 : i32 to vector<16xi32>
      %add3A_25 = arith.addi %broadcast_in_dim3A_4, %add3A_24 : vector<16xi32>
      %dma_start3A = arith.constant 0 : i32
      %dma_start3A_26 = arith.constant 0 : i32
      %dma_start3A_27 = arith.constant 0 : i32
      %dma_start3A_28 = tpu.memref_slice %arg12[%dma_start3A, %dma_start3A_26, %dma_start3A_27] : memref<8x64x128xf32, #tpu.memory_space<vmem>> -> memref<1x64x128xf32, #tpu.memory_space<vmem>>
      %dma_start3A_29 = tpu.memref_squeeze %dma_start3A_28 : memref<1x64x128xf32, #tpu.memory_space<vmem>> -> memref<64x128xf32, #tpu.memory_space<vmem>>
      %dma_start3A_30 = arith.constant 0 : i32
      %dma_start3A_31 = tpu.memref_slice %arg4[%dma_start3A_30, %multiple_of3A] : memref<64x100000xf32, #tpu.memory_space<hbm>> -> memref<64x128xf32, #tpu.memory_space<hbm>>
      %dma_start3A_32 = arith.constant 0 : i32
      %dma_start3A_33 = arith.constant 0 : i32
      %dma_start3A_34 = tpu.memref_slice %arg12[%dma_start3A, %dma_start3A_32, %dma_start3A_33] : memref<8x64x128xf32, #tpu.memory_space<vmem>> -> memref<1x64x128xf32, #tpu.memory_space<vmem>>
      %dma_start3A_35 = tpu.memref_squeeze %dma_start3A_34 : memref<1x64x128xf32, #tpu.memory_space<vmem>> -> memref<64x128xf32, #tpu.memory_space<vmem>>
      %dma_start3A_36 = arith.constant 0 : i32
      %dma_start3A_37 = tpu.memref_slice %arg4[%dma_start3A_36, %multiple_of3A] : memref<64x100000xf32, #tpu.memory_space<hbm>> -> memref<64x128xf32, #tpu.memory_space<hbm>>
      tpu.enqueue_dma source(%dma_start3A_37 : memref<64x128xf32, #tpu.memory_space<hbm>>) target(%dma_start3A_35 : memref<64x128xf32, #tpu.memory_space<vmem>>) target_semaphore(%arg15 : memref<!tpu.dma_semaphore, #tpu.memory_space<semaphore_mem>>)
      %dma_wait3A = arith.constant 0 : i32
      %dma_wait3A_38 = arith.constant 0 : i32
      %dma_wait3A_39 = arith.constant 0 : i32
      %dma_wait3A_40 = tpu.memref_slice %arg12[%dma_wait3A, %dma_wait3A_38, %dma_wait3A_39] : memref<8x64x128xf32, #tpu.memory_space<vmem>> -> memref<1x64x128xf32, #tpu.memory_space<vmem>>
      %dma_wait3A_41 = tpu.memref_squeeze %dma_wait3A_40 : memref<1x64x128xf32, #tpu.memory_space<vmem>> -> memref<64x128xf32, #tpu.memory_space<vmem>>
      %dma_wait3A_42 = arith.constant 0 : i32
      %dma_wait3A_43 = tpu.memref_slice %arg4[%dma_wait3A_42, %multiple_of3A] : memref<64x100000xf32, #tpu.memory_space<hbm>> -> memref<64x128xf32, #tpu.memory_space<hbm>>
      %dma_wait3A_44 = arith.constant 0 : i32
      %dma_wait3A_45 = arith.constant 0 : i32
      %dma_wait3A_46 = tpu.memref_slice %arg12[%dma_wait3A, %dma_wait3A_44, %dma_wait3A_45] : memref<8x64x128xf32, #tpu.memory_space<vmem>> -> memref<1x64x128xf32, #tpu.memory_space<vmem>>
      %dma_wait3A_47 = tpu.memref_squeeze %dma_wait3A_46 : memref<1x64x128xf32, #tpu.memory_space<vmem>> -> memref<64x128xf32, #tpu.memory_space<vmem>>
      %dma_wait3A_48 = arith.constant 0 : i32
      %dma_wait3A_49 = tpu.memref_slice %arg4[%dma_wait3A_48, %multiple_of3A] : memref<64x100000xf32, #tpu.memory_space<hbm>> -> memref<64x128xf32, #tpu.memory_space<hbm>>
      tpu.wait_dma2 semaphore(%arg15 : memref<!tpu.dma_semaphore, #tpu.memory_space<semaphore_mem>>) src(%dma_wait3A_49 : memref<64x128xf32, #tpu.memory_space<hbm>>) dst(%dma_wait3A_47 : memref<64x128xf32, #tpu.memory_space<vmem>>)
      %iota3A_50 = tpu.iota {dimensions = array<i32: 0>} : vector<16xi32>
      %add3A_51 = arith.constant 0 : i32
      %add3A_52 = vector.broadcast %add3A_51 : i32 to vector<16xi32>
      %add3A_53 = arith.addi %iota3A_50, %add3A_52 : vector<16xi32>
      %gather3A = arith.constant 0 : i32
      %gather3A_54 = arith.constant 0 : i32
      %gather3A_55 = arith.constant 0 : i32
      %gather3A_56 = tpu.memref_slice %arg12[%gather3A, %gather3A_54, %gather3A_55] : memref<8x64x128xf32, #tpu.memory_space<vmem>> -> memref<1x64x128xf32, #tpu.memory_space<vmem>>
      %gather3A_57 = tpu.memref_squeeze %gather3A_56 : memref<1x64x128xf32, #tpu.memory_space<vmem>> -> memref<64x128xf32, #tpu.memory_space<vmem>>
      %gather3A_58 = tpu.vector_load_idx %gather3A_57[%add3A_53, %add3A_25] : memref<64x128xf32, #tpu.memory_space<vmem>>[vector<16xi32>, vector<16xi32>], vector<16xf32>,
      %swap3A = arith.constant 0 : i32
      %swap3A_59 = arith.constant 0 : i32
      %swap3A_60 = tpu.memref_slice %arg13[%swap3A, %swap3A_59] : memref<8x64xf32, #tpu.memory_space<vmem>> -> memref<1x64xf32, #tpu.memory_space<vmem>>
      %swap3A_61 = tpu.memref_squeeze %swap3A_60 : memref<1x64xf32, #tpu.memory_space<vmem>> -> memref<64xf32, #tpu.memory_space<vmem>>
      %swap3A_62 = arith.constant 0 : index
      %swap3A_63 = tpu.vector_load %swap3A_61[%swap3A_62] {strides = array<i32>} : memref<64xf32, #tpu.memory_space<vmem>>, vector<16xf32>,
      tpu.vector_store %swap3A_61[%swap3A_62], %gather3A_58 {strides = array<i32>} : memref<64xf32, #tpu.memory_space<vmem>>, vector<16xf32>,
      %add3A_64 = arith.constant 16 : i32
      %add3A_65 = vector.broadcast %add3A_64 : i32 to vector<16xi32>
      %add3A_66 = arith.addi %iota3A_50, %add3A_65 : vector<16xi32>
      %gather3A_67 = arith.constant 0 : i32
      %gather3A_68 = arith.constant 0 : i32
      %gather3A_69 = arith.constant 0 : i32
      %gather3A_70 = tpu.memref_slice %arg12[%gather3A_67, %gather3A_68, %gather3A_69] : memref<8x64x128xf32, #tpu.memory_space<vmem>> -> memref<1x64x128xf32, #tpu.memory_space<vmem>>
      %gather3A_71 = tpu.memref_squeeze %gather3A_70 : memref<1x64x128xf32, #tpu.memory_space<vmem>> -> memref<64x128xf32, #tpu.memory_space<vmem>>
      %gather3A_72 = tpu.vector_load_idx %gather3A_71[%add3A_66, %add3A_25] : memref<64x128xf32, #tpu.memory_space<vmem>>[vector<16xi32>, vector<16xi32>], vector<16xf32>,
      %swap3A_73 = arith.constant 0 : i32
      %swap3A_74 = arith.constant 0 : i32
      %swap3A_75 = tpu.memref_slice %arg13[%swap3A_73, %swap3A_74] : memref<8x64xf32, #tpu.memory_space<vmem>> -> memref<1x64xf32, #tpu.memory_space<vmem>>
      %swap3A_76 = tpu.memref_squeeze %swap3A_75 : memref<1x64xf32, #tpu.memory_space<vmem>> -> memref<64xf32, #tpu.memory_space<vmem>>
      %swap3A_77 = arith.constant 16 : index
      %swap3A_78 = tpu.vector_load %swap3A_76[%swap3A_77] {strides = array<i32>} : memref<64xf32, #tpu.memory_space<vmem>>, vector<16xf32>,
      tpu.vector_store %swap3A_76[%swap3A_77], %gather3A_72 {strides = array<i32>} : memref<64xf32, #tpu.memory_space<vmem>>, vector<16xf32>,
      %add3A_79 = arith.constant 32 : i32
      %add3A_80 = vector.broadcast %add3A_79 : i32 to vector<16xi32>
      %add3A_81 = arith.addi %iota3A_50, %add3A_80 : vector<16xi32>
      %gather3A_82 = arith.constant 0 : i32
      %gather3A_83 = arith.constant 0 : i32
      %gather3A_84 = arith.constant 0 : i32
      %gather3A_85 = tpu.memref_slice %arg12[%gather3A_82, %gather3A_83, %gather3A_84] : memref<8x64x128xf32, #tpu.memory_space<vmem>> -> memref<1x64x128xf32, #tpu.memory_space<vmem>>
      %gather3A_86 = tpu.memref_squeeze %gather3A_85 : memref<1x64x128xf32, #tpu.memory_space<vmem>> -> memref<64x128xf32, #tpu.memory_space<vmem>>
      %gather3A_87 = tpu.vector_load_idx %gather3A_86[%add3A_81, %add3A_25] : memref<64x128xf32, #tpu.memory_space<vmem>>[vector<16xi32>, vector<16xi32>], vector<16xf32>,
      %swap3A_88 = arith.constant 0 : i32
      %swap3A_89 = arith.constant 0 : i32
      %swap3A_90 = tpu.memref_slice %arg13[%swap3A_88, %swap3A_89] : memref<8x64xf32, #tpu.memory_space<vmem>> -> memref<1x64xf32, #tpu.memory_space<vmem>>
      %swap3A_91 = tpu.memref_squeeze %swap3A_90 : memref<1x64xf32, #tpu.memory_space<vmem>> -> memref<64xf32, #tpu.memory_space<vmem>>
      %swap3A_92 = arith.constant 32 : index
      %swap3A_93 = tpu.vector_load %swap3A_91[%swap3A_92] {strides = array<i32>} : memref<64xf32, #tpu.memory_space<vmem>>, vector<16xf32>,
      tpu.vector_store %swap3A_91[%swap3A_92], %gather3A_87 {strides = array<i32>} : memref<64xf32, #tpu.memory_space<vmem>>, vector<16xf32>,
      %add3A_94 = arith.constant 48 : i32
      %add3A_95 = vector.broadcast %add3A_94 : i32 to vector<16xi32>
      %add3A_96 = arith.addi %iota3A_50, %add3A_95 : vector<16xi32>
      %gather3A_97 = arith.constant 0 : i32
      %gather3A_98 = arith.constant 0 : i32
      %gather3A_99 = arith.constant 0 : i32
      %gather3A_100 = tpu.memref_slice %arg12[%gather3A_97, %gather3A_98, %gather3A_99] : memref<8x64x128xf32, #tpu.memory_space<vmem>> -> memref<1x64x128xf32, #tpu.memory_space<vmem>>
      %gather3A_101 = tpu.memref_squeeze %gather3A_100 : memref<1x64x128xf32, #tpu.memory_space<vmem>> -> memref<64x128xf32, #tpu.memory_space<vmem>>
      %gather3A_102 = tpu.vector_load_idx %gather3A_101[%add3A_96, %add3A_25] : memref<64x128xf32, #tpu.memory_space<vmem>>[vector<16xi32>, vector<16xi32>], vector<16xf32>,
      %swap3A_103 = arith.constant 0 : i32
      %swap3A_104 = arith.constant 0 : i32
      %swap3A_105 = tpu.memref_slice %arg13[%swap3A_103, %swap3A_104] : memref<8x64xf32, #tpu.memory_space<vmem>> -> memref<1x64xf32, #tpu.memory_space<vmem>>
      %swap3A_106 = tpu.memref_squeeze %swap3A_105 : memref<1x64xf32, #tpu.memory_space<vmem>> -> memref<64xf32, #tpu.memory_space<vmem>>
      %swap3A_107 = arith.constant 48 : index
      %swap3A_108 = tpu.vector_load %swap3A_106[%swap3A_107] {strides = array<i32>} : memref<64xf32, #tpu.memory_space<vmem>>, vector<16xf32>,
      tpu.vector_store %swap3A_106[%swap3A_107], %gather3A_102 {strides = array<i32>} : memref<64xf32, #tpu.memory_space<vmem>>, vector<16xf32>,
      %eq3A_109 = arith.constant 0 : i32
      %eq3A_110 = arith.cmpi eq, %and3A_1, %eq3A_109 : i32
      %convert_element_type3A_111 = arith.extui %eq3A_110 : i1 to i32
      %cond3A_112 = arith.constant 0 : i32
      %cond3A_113 = arith.cmpi ne, %convert_element_type3A_111, %cond3A_112 : i32
      scf.if %cond3A_113 {
        "tpu.region"() ({
          %run_scoped3A = tpu.sem_alloc : memref<!tpu.dma_semaphore, #tpu.memory_space<semaphore_mem>>
          %dma_start3A_119 = arith.constant 0 : i32
          %dma_start3A_120 = arith.constant 0 : i32
          %dma_start3A_121 = tpu.memref_slice %arg13[%dma_start3A_119, %dma_start3A_120] : memref<8x64xf32, #tpu.memory_space<vmem>> -> memref<1x64xf32, #tpu.memory_space<vmem>>
          %dma_start3A_122 = arith.constant 0 : i32
          %dma_start3A_123 = arith.constant 0 : i32
          %dma_start3A_124 = tpu.memref_slice %arg13[%dma_start3A_122, %dma_start3A_123] : memref<8x64xf32, #tpu.memory_space<vmem>> -> memref<1x64xf32, #tpu.memory_space<vmem>>
          tpu.enqueue_dma source(%dma_start3A_124 : memref<1x64xf32, #tpu.memory_space<vmem>>) target(%arg6 : memref<1x64xf32, #tpu.memory_space<hbm>>) target_semaphore(%run_scoped3A : memref<!tpu.dma_semaphore, #tpu.memory_space<semaphore_mem>>)
          %dma_wait3A_125 = arith.constant 0 : i32
          %dma_wait3A_126 = arith.constant 0 : i32
          %dma_wait3A_127 = tpu.memref_slice %arg13[%dma_wait3A_125, %dma_wait3A_126] : memref<8x64xf32, #tpu.memory_space<vmem>> -> memref<1x64xf32, #tpu.memory_space<vmem>>
          %dma_wait3A_128 = arith.constant 0 : i32
          %dma_wait3A_129 = arith.constant 0 : i32
          %dma_wait3A_130 = tpu.memref_slice %arg13[%dma_wait3A_128, %dma_wait3A_129] : memref<8x64xf32, #tpu.memory_space<vmem>> -> memref<1x64xf32, #tpu.memory_space<vmem>>
          tpu.wait_dma2 semaphore(%run_scoped3A : memref<!tpu.dma_semaphore, #tpu.memory_space<semaphore_mem>>) src(%dma_wait3A_130 : memref<1x64xf32, #tpu.memory_space<vmem>>) dst(%arg6 : memref<1x64xf32, #tpu.memory_space<hbm>>)
          tpu.yield
        }) : () -> ()
      } else {
      }
      %eq3A_114 = arith.constant 1 : i32
      %eq3A_115 = arith.cmpi eq, %and3A_1, %eq3A_114 : i32
      %convert_element_type3A_116 = arith.extui %eq3A_115 : i1 to i32
      %cond3A_117 = arith.constant 0 : i32
      %cond3A_118 = arith.cmpi ne, %convert_element_type3A_116, %cond3A_117 : i32
      scf.if %cond3A_118 {
        "tpu.region"() ({
          %run_scoped3A = tpu.sem_alloc : memref<!tpu.dma_semaphore, #tpu.memory_space<semaphore_mem>>
          %dma_start3A_119 = arith.constant 0 : i32
          %dma_start3A_120 = arith.constant 0 : i32
          %dma_start3A_121 = tpu.memref_slice %arg13[%dma_start3A_119, %dma_start3A_120] : memref<8x64xf32, #tpu.memory_space<vmem>> -> memref<1x64xf32, #tpu.memory_space<vmem>>
          %dma_start3A_122 = arith.constant 0 : i32
          %dma_start3A_123 = arith.constant 0 : i32
          %dma_start3A_124 = tpu.memref_slice %arg13[%dma_start3A_122, %dma_start3A_123] : memref<8x64xf32, #tpu.memory_space<vmem>> -> memref<1x64xf32, #tpu.memory_space<vmem>>
          tpu.enqueue_dma source(%dma_start3A_124 : memref<1x64xf32, #tpu.memory_space<vmem>>) target(%arg7 : memref<1x64xf32, #tpu.memory_space<hbm>>) target_semaphore(%run_scoped3A : memref<!tpu.dma_semaphore, #tpu.memory_space<semaphore_mem>>)
          %dma_wait3A_125 = arith.constant 0 : i32
          %dma_wait3A_126 = arith.constant 0 : i32
          %dma_wait3A_127 = tpu.memref_slice %arg13[%dma_wait3A_125, %dma_wait3A_126] : memref<8x64xf32, #tpu.memory_space<vmem>> -> memref<1x64xf32, #tpu.memory_space<vmem>>
          %dma_wait3A_128 = arith.constant 0 : i32
          %dma_wait3A_129 = arith.constant 0 : i32
          %dma_wait3A_130 = tpu.memref_slice %arg13[%dma_wait3A_128, %dma_wait3A_129] : memref<8x64xf32, #tpu.memory_space<vmem>> -> memref<1x64xf32, #tpu.memory_space<vmem>>
          tpu.wait_dma2 semaphore(%run_scoped3A : memref<!tpu.dma_semaphore, #tpu.memory_space<semaphore_mem>>) src(%dma_wait3A_130 : memref<1x64xf32, #tpu.memory_space<vmem>>) dst(%arg7 : memref<1x64xf32, #tpu.memory_space<hbm>>)
          tpu.yield
        }) : () -> ()
      } else {
      }
    } else {
    }
    return
  }
}

</mosaic_0001>

<sc_bundles>
// kernel: kernel.3.cloned.1.call-start
scs
__scs_entry_jumppad:
0x0: {  	(pc) =	sbr.rel $0x88, $3  }
0x1: {  	(tag) =	ssettag $0x0;
	lr =	simm.s32 $0x1  }
0x2: {  	[smem:$0x3F9D] =	sst lr;
	_ =	strace $0xD0000000  }
0x3: {  	_ = 	snop  }
0x4: {  	_ = 	snop  }
0x5: {  	_ = 	snop  }
0x6: {  	_ = 	snop  }
0x7: {  	_ = 	snop  }
__scs_overlays_trampoline_lowered:
0x8: {  	[smem:$0x3FAC] =	sst s0  }
0x9: {  	[smem:$0x3FAD] =	sst s1  }
0xa: {  	[smem:$0x3FAE] =	sst s2  }
0xb: {  	[smem:$0x3FAF] =	sst s3  }
0xc: {  	[smem:$0x3FB0] =	sst s4  }
0xd: {  	[smem:$0x3FB1] =	sst s5  }
0xe: {  	[smem:$0x3FB2] =	sst s6  }
0xf: {  	[smem:$0x3FB3] =	sst s7  }
0x10: {  	[smem:$0x3FB4] =	sst s8  }
0x11: {  	[smem:$0x3FB5] =	sst s9;
	s0 =	simm.s32 @!p0 $0x0  }
0x12: {  	s1 =	sld [smem:$0x3F9B];
	s0 =	simm.s32 @p0 $0x1  }
0x13: {  	[smem:$0x3FB6] =	sst s0;
	s0 =	simm.s32 @!p1 $0x0  }
0x14: {  	s2 =	sld [smem:$0x3F9A];
	s0 =	simm.s32 @p1 $0x1  }
0x15: {  	[smem:$0x3FB7] =	sst s0;
	s0 =	simm.s32 @!p2 $0x0  }
0x16: {  	s3 =	sld [smem:$0x3FDB];
	s0 =	simm.s32 @p2 $0x1  }
0x17: {  	s4 =	simm.s32 $0x1BF5;
	[smem:$0x3FB9] =	sst s0  }
0x18: {  	s0 =	sld [smem:$0x3F9C];
	_ =	swait.ge [sflag:s4], $0x0  }
0x19: {  	s7 =	sld [smem:$0x3F9D]  }
0x1a: {  	s8 =	sadd.s32 $0xFFFFE003, lr  }
0x1b: {  	s9 =	sadd.s32 $0xFFFFFEF7, lr;
	s5 =	simm.s32 $0xFFFFFFFF;
	p2 =	slt.u32 s8, $0xFFFFF086  }
0x1c: {  	p1 =	slt.u32 s9, $0xF7A;
	s5 =	simm.s32 @!p2 $0x0  }
0x1d: {  	s5 =	simm.s32 @p1 $0x1;
	p0 =	seq.s32 s7, s2  }
0x1e: {  	s7 =	smul.u32 @!p0 $0xF7A, s2;
	p2 =	seq.s32 @!p0 s5, $0x0  }
0x1f: {  	s9 =	smul.u32 $0xF7A, s1;
	s8 =	simm.s32 @!p0 $0x1BF5;
	p2 =	por !p2, p0  }
0x20: {  	[sflag:s8] =	ssyncset.s32 @!p0 $0xFFFFF086;
	s6 =	sadd.s32 @!p0 s3, s7;
	s7 =	simm.s32 @!p0 $0x108  }
0x21: {  	s3 =	sadd.s32 s3, s9;
	s6 =	sadd.s32 @!p0 $0x88, s6;
	s7 =	simm.s32 @p2 $0x1082  }
0x22: {  	[simem:s7], [sflag:s8] =	dma.local @!p0 [hbm:s6], $0xF7A  }
0x23: {  	s9 =	sor.u32 $0xD0000000, s2;
	s6 =	simm.s32 $0x108;
	_ =	swait.ge @!p0 [sflag:s8], $0x0  }
0x24: {  	s3 =	sadd.s32 $0x88, s3;
	s6 =	simm.s32 @!p1 $0x1082;
	[sflag:s4] =	ssyncset.s32 $0xFFFFF086  }
0x25: {  	[simem:s6], [sflag:s4] =	dma.local [hbm:s3], $0xF7A  }
0x26: {  	[smem:$0x3F9D] =	sst s1;
	(tag) =	ssettag s2;
	_ =	strace s9  }
0x27: {  	s1 =	sld [smem:$0x3FAD]  }
0x28: {  	s2 =	sld [smem:$0x3FAE]  }
0x29: {  	s4 =	sld [smem:$0x3FB0]  }
0x2a: {  	p0 =	seq.s32 s5, $0x0;
	s5 =	sld [smem:$0x3FB1]  }
0x2b: {  	s6 =	sld [smem:$0x3FB2]  }
0x2c: {  	s7 =	sld [smem:$0x3FB3]  }
0x2d: {  	s3 =	simm.s32 $0x108;
	s8 =	sld [smem:$0x3FB4]  }
0x2e: {  	s3 =	simm.s32 @!p0 $0x1082;
	s9 =	sld [smem:$0x3FB5]  }
0x2f: {  	lr =	sadd.s32 s0, s3;
	s0 =	sld [smem:$0x3FAC]  }
0x30: {  	s3 =	sld [smem:$0x3FAF]  }
0x31: {  	[smem:$0x3FB8] =	sst s10  }
0x32: {  	s10 =	sld [smem:$0x3FB6];
	_ =	sdelay $0x3  }
0x33: {  	p0 =	seq.s32 s10, $0x1;
	s10 =	sld [smem:$0x3FB8];
	_ =	sdelay $0x3  }
0x34: {  	[smem:$0x3FB8] =	sst s10  }
0x35: {  	s10 =	sld [smem:$0x3FB7];
	_ =	sdelay $0x3  }
0x36: {  	p1 =	seq.s32 s10, $0x1;
	s10 =	sld [smem:$0x3FB8];
	_ =	sdelay $0x3  }
0x37: {  	[smem:$0x3FB8] =	sst s10  }
0x38: {  	s10 =	sld [smem:$0x3FB9]  }
0x39: {  	_ = 	snop;
	(pc) =	sbr.ind lr, $3  }
0x3a: {  	_ = 	snop  }
0x3b: {  	_ = 	snop  }
0x3c: {  	p2 =	seq.s32 s10, $0x1;
	s10 =	sld [smem:$0x3FB8]  }
0x3d: {  	_ =	shalt  }
0x3e: {  	_ =	shalt  }
0x3f: {  	_ =	shalt  }
0x40: {  	_ =	shalt  }
0x41: {  	_ =	shalt  }
0x42: {  	_ =	shalt  }
0x43: {  	_ =	shalt  }
0x44: {  	_ =	shalt  }
0x45: {  	_ =	shalt  }
0x46: {  	_ =	shalt  }
0x47: {  	_ =	shalt  }
0x48: {  	_ =	shalt  }
0x49: {  	_ =	shalt  }
0x4a: {  	_ =	shalt  }
0x4b: {  	_ =	shalt  }
0x4c: {  	_ =	shalt  }
0x4d: {  	_ =	shalt  }
0x4e: {  	_ =	shalt  }
0x4f: {  	_ =	shalt  }
0x50: {  	_ =	shalt  }
0x51: {  	_ =	shalt  }
0x52: {  	_ =	shalt  }
0x53: {  	_ =	shalt  }
0x54: {  	_ =	shalt  }
0x55: {  	_ =	shalt  }
0x56: {  	_ =	shalt  }
0x57: {  	_ =	shalt  }
0x58: {  	_ =	shalt  }
0x59: {  	_ =	shalt  }
0x5a: {  	_ =	shalt  }
0x5b: {  	_ =	shalt  }
0x5c: {  	_ =	shalt  }
0x5d: {  	_ =	shalt  }
0x5e: {  	_ =	shalt  }
0x5f: {  	_ =	shalt  }
0x60: {  	_ =	shalt  }
0x61: {  	_ =	shalt  }
0x62: {  	_ =	shalt  }
0x63: {  	_ =	shalt  }
0x64: {  	_ =	shalt  }
0x65: {  	_ =	shalt  }
0x66: {  	_ =	shalt  }
0x67: {  	_ =	shalt  }
0x68: {  	_ =	shalt  }
0x69: {  	_ =	shalt  }
0x6a: {  	_ =	shalt  }
0x6b: {  	_ =	shalt  }
0x6c: {  	_ =	shalt  }
0x6d: {  	_ =	shalt  }
0x6e: {  	_ =	shalt  }
0x6f: {  	_ =	shalt  }
0x70: {  	_ =	shalt  }
0x71: {  	_ =	shalt  }
0x72: {  	_ =	shalt  }
0x73: {  	_ =	shalt  }
0x74: {  	_ =	shalt  }
0x75: {  	_ =	shalt  }
0x76: {  	_ =	shalt  }
0x77: {  	_ =	shalt  }
0x78: {  	_ =	shalt  }
0x79: {  	_ =	shalt  }
0x7a: {  	_ =	shalt  }
0x7b: {  	_ =	shalt  }
0x7c: {  	_ =	shalt  }
0x7d: {  	_ =	shalt  }
0x7e: {  	_ =	shalt  }
0x7f: {  	_ =	shalt  }
0x80: {  	_ =	shalt  }
0x81: {  	_ =	shalt  }
0x82: {  	_ =	shalt  }
0x83: {  	_ =	shalt  }
0x84: {  	_ =	shalt  }
0x85: {  	_ =	shalt  }
0x86: {  	_ =	shalt  }
0x87: {  	_ =	shalt  }
.Lfunc_end0:
.L_simem_size_0:
called_computation_lowered:
.L_overlay_start_0:
0x88: {  	s2 =	sld [smem:$0x3FD9]  }
0x89: {  	s3 =	sld [smem:$0x3FFE];
	_ =	sdelay $0x1  }
0x8a: {  	s1 =	srdreg.scid  }
0x8b: {  	s0 =	sand.u32 $0x1, s1  }
0x8c: {  	s15 =	sshll.u32 s0, $0xA;
	s2 =	sadd.s32 s3, s2  }
0x8d: {  	s2 =	sadd.s32 s2, s15  }
0x8e: {  	[smem:$0x3FC4] =	sst s2  }
0x8f: {  	_ = 	snop  }
0x90: {  	s2 =	sld [smem:$0x3FC9]  }
0x91: {  	s16 =	sld [smem:$0x3FD0]  }
0x92: {  	s4 =	sld [smem:$0x3FC8]  }
0x93: {  	s5 =	sld [smem:$0x3FC7]  }
0x94: {  	s7 =	simm.s32 $0xA;
	s8 =	simm.s32 $0x10;
	s6 =	sld [smem:$0x3FC6]  }
0x95: {  	[smem:s8], [sflag:s7] =	dma.local [hbm:s16], $0x1  }
0x96: {  	_ =	swait.eq [sflag:s7], $0x1  }
0x97: {  	s17 =	sld [smem:$0x10]  }
0x98: {  	s18 =	sld [smem:$0x11];
	[sflag:s7] =	ssyncset.done $0x0  }
0x99: {  	s9 =	sld [smem:$0x12];
	[sflag:s7] =	ssyncadd.s32 $0xFFFFFFFF  }
0x9a: {  	s19 =	sld [smem:$0x13];
	(tm) =	ssettm $0x1  }
0x9b: {  	s10 =	sld [smem:$0x3FFB];
	_ =	sdelay $0x3  }
0x9c: {  	_ =	strace s10  }
0x9d: {  	s10 =	sld [smem:$0x3FFC];
	_ =	sdelay $0x3  }
0x9e: {  	_ =	strace s10  }
0x9f: {  	s10 =	sld [smem:$0x3FFD];
	_ =	sdelay $0x3  }
0xa0: {  	_ =	strace s10  }
0xa1: {  	_ =	strace $0x8FFFFFFF  }
0xa2: {  	s20 =	sld [smem:$0x3FDB];
	_ =	sdelay $0x1  }
0xa3: {  	s11 =	simm.s32 $_scs_section_size  }
0xa4: {  	s12 =	simm.s32 $_size__tile_overlayer_lowered;
	s13 =	simm.s32 $_tile_overlayer_lowered  }
0xa5: {  	s23 =	simm.s32 $0x1BFF;
	s22 =	sshll.u32 s13, $0x1;
	s10 =	sadd.s32 s11, s20  }
0xa6: {  	s14 =	simm.s32 $0x0;
	s21 =	sshll.u32 s12, $0x1;
	s12 =	sadd.s32 s22, s10  }
0xa7: {  	[timem:s14], [sflag:s23] =	dma.local [hbm:s12], s21  }
0xa8: {  	_ =	swait.ge [sflag:s23], s21  }
0xa9: {  	s11 =	ssub.s32 $0x0, s21;
	[sflag:s23] =	ssyncset.done $0x0  }
0xaa: {  	[sflag:s23] =	ssyncadd.s32 s11;
	_ =	sdelay $0x1  }
0xab: {  	s24 =	simm.s32 $0x1B8B  }
0xac: {  	_ =	swait.ge [sflag:s24], $0x1  }
0xad: {  	[sflag:s24] =	ssyncset.done $0x0  }
0xae: {  	s25 =	simm.s32 $0x1B8E;
	[sflag:s24] =	ssyncadd.s32 $0xFFFFFFFF  }
0xaf: {  	s26 =	simm.s32 $execute0_lowered;
	[smem:$0x3FD2] =	sst s25  }
0xb0: {  	s11 =	sshll.u32 s26, $0x1;
	_ =	strace $0x80000046;
	[dreg:$0x1] =	wrdreg $0xFFFFFFFF  }
0xb1: {  	s28 =	simm.s32 $_size_execute0_lowered;
	s10 =	sadd.s32 s10, s11;
	[dreg:$0x0] =	wrdreg $0x0  }
0xb2: {  	s11 =	sshll.u32 s28, $0x1;
	[dreg:$0x2] =	wrdreg s10  }
0xb3: {  	[dreg:$0x3] =	wrdreg s11  }
0xb4: {  	[dreg:$0x4] =	wrdreg $0xC0  }
0xb5: {  	_ =	task [dreg:s14], $0x5FFFF  }
0xb6: {  	[dreg:$0x1] =	wrdreg $0xFFFFFFFF  }
0xb7: {  	[dreg:$0x0] =	wrdreg $0x60  }
0xb8: {  	[dreg:$0x2] =	wrdreg s2  }
0xb9: {  	[dreg:$0x3] =	wrdreg s4  }
0xba: {  	[dreg:$0x4] =	wrdreg s5  }
0xbb: {  	[dreg:$0x5] =	wrdreg s6  }
0xbc: {  	[dreg:$0x6] =	wrdreg s17  }
0xbd: {  	[dreg:$0x7] =	wrdreg s18  }
0xbe: {  	[dreg:$0x8] =	wrdreg s9  }
0xbf: {  	[dreg:$0x9] =	wrdreg s19  }
0xc0: {  	[dreg:$0xa] =	wrdreg $0x9  }
0xc1: {  	_ =	task.clear_ibuf [dreg:s14], $0xBFFFF;
	_ =	strace $0x90000046  }
0xc2: {  	s29 =	simm.s32 $0x9;
	_ =	strace $0x80000048  }
0xc3: {  	_ =	swait.ge [sflag:s29], $0x1  }
0xc4: {  	[sflag:s29] =	ssyncadd.s32 $0xFFFFFFFF  }
0xc5: {  	_ =	strace $0x90000048  }
0xc6: {  	_ =	sfence  }
0xc7: {  	s30 =	sld [smem:$0x0];
	_ =	sdelay $0x2  }
0xc8: {  	s31 =	sshll.u32 s1, $0xD;
	s1 =	sshrl.u32 s1, $0x2  }
0xc9: {  	s3 =	sand.u32 $0x4000, s31;
	s1 =	sadd.s32 s1, s30  }
0xca: {  	s0 =	sor.u32 s3, s0;
	s1 =	sshll.u32 s1, $0x11  }
0xcb: {  	s0 =	sor.u32 s1, s0  }
0xcc: {  	s0 =	sadd.s32 $0x8F2B, s0  }
0xcd: {  	[sflag:s0] =	ssyncadd.remote.s32 $0x1  }
0xce: {  	_ =	sfence.sel $0xFFFF  }
0xcf: {  	[dreg:$0x0] =	wrdreg $0xFFFFFFFF;
	(pc) =	sbr.abs _section_cstart, $3  }
0xd0: {  	[dreg:$0x1] =	wrdreg $0xFFFFFFFF  }
0xd1: {  	_ =	task.clear_ibuf [dreg:s14], $0x2FFFF;
	_ =	strace $0x9FFFFFFF  }
0xd2: {  	(tm) =	ssettm $0x7FFFFFFF  }
0xd3: {  	_ =	shalt  }
tec
execute0_lowered:
.L_overlay_start_1:
0x0: {  	(tag) =	ssettag $0x1  }
0x1: {  	s0 =	rddreg [dreg:$0x0]  }
0x2: {  	s3 =	rddreg [dreg:$0x3]  }
0x3: {  	s1 =	rddreg [dreg:$0x6]  }
0x4: {  	s2 =	srdreg.scid;
	s4 =	rddreg [dreg:$0x7];
	s7 =	simm.s32 $0x0  }
0x5: {  	s18 =	stileid.u32;
	s13 =	simm.s32 $0x3;
	s14 =	simm.s32 $0x80  }
0x6: {  	s15 =	simm.s32 $0x400;
	s16 =	simm.s32 $0xC3800;
	s17 =	simm.s32 $0x480  }
0x7: {  	s19 =	simm.s32 $0x2480;
	s21 =	simm.s32 $0x4480;
	s23 =	simm.s32 $0x6480  }
0x8: {  	s25 =	simm.s32 $0x8480;
	s26 =	simm.s32 $0x300;
	s28 =	simm.s32 $0xA480  }
0x9: {  	s29 =	simm.s32 $0x380;
	s30 =	simm.s32 $0xC480;
	s31 =	simm.s32 $0xE480  }
0xa: {  	s2 =	sand.u32 $0x1, s2;
	[smem:$0x7FF] =	sst s7;
	s8 =	sshll.u32 s18, $0x7  }
0xb: {  	s9 =	smul.u32 $0xC3800, s18;
	p1 =	sgt.u32 s18, $0x6;
	p2 =	sne.s32 s18, $0xF  }
.Ltmp0:
0xc: {  	s5 =	ssub.s32 $0x2, s2;
	_ =	strace $0x80000047;
	(pc) =	sbr.rel .LBB2_1-.Ltmp0, $4  }
0xd: {  	v2 =	vlaneseq.u32;
	s24 =	sor.u32 $0x2, s2;
	p0 =	seq.s32 s2, $0x1;
	s10 =	sadd.s32 s1, s8  }
0xe: {  	v0 =	vmul.u32 $0x80, v2;
	s11 =	sadd.s32 s4, s8;
	v3 =	vmov s2;
	s4 =	simm.s32 $0x1;
	s6 =	sshrl.u32 s5, $0x1  }
0xf: {  	vm1 =	vmmov $0x1;
	p3 =	seq.s32 @!p0 s2, $0x0;
	p4 =	por !p0, p2;
	v1 =	vmov s24;
	vm0 =	veq.s32 v3, v2;
	s5 =	ssub.s32 s5, s6  }
0x10: {  	p5 =	por p0, p2;
	v2 =	vor.u32 $0x800, v0;
	v3 =	vor.u32 $0x1000, v0;
	v4 =	vor.u32 $0x1800, v0;
	p3 =	por p0, !p3;
	s12 =	smax.u32 s5, $0x1  }
.LBB2_4:
0x11: {  	v6 =	vlaneseq.u32 @!p2  }
0x12: {  	vm2 =	veq.s32 @!p2 v1, v6  }
0x13: {  	v5 =	vnsel @!p2 vm2, $0x0, v5  }
0x14: {  	(xrf0) =	vadd.scan.msk.s32 @!p2 $0xffff, v5;
	_ =	sdelay $0x5  }
0x15: {  	v5, _, _ =	vpop @!p2 (xrf0)  }
0x16: {  	(v2sf) =	vpush @!p2 v5, $0xF;
	_ =	sdelay $0xe  }
0x17: {  	s5 =	rddreg [dreg:$0x2];
	s1 =	spop @!p2 (v2sf)  }
0x18: {  	s6 =	simm.s32 @!p2 $0xC3800;
	s8 =	simm.s32 @!p2 $0x480;
	v5 =	vmul.u32 @!p2 $0x80, v6;
	s2 =	sand.u32 @!p2 $0xFFFFF80, s1  }
0x19: {  	s1 =	sand.u32 @!p2 $0x7F, s1;
	s2 =	sadd.s32 @!p2 s5, s2;
	s5 =	simm.s32 @!p2 $0x400  }
0x1a: {  	v6 =	vor.u32 @!p2 s1, v5;
	[tilespmem:s8], [sflag:$0x2] =	stream.strided.gather @!p2 [hbm4b:s2+s5], $0x2000, s6, s5, $0x38;
	[tilespmem:$0x10880] =	vst v63  }
0x1b: {  	s2 =	simm.s32 @!p2 $0x2  }
0x1c: {  	_ =	swait.ge @!p2 [sflag:s2], $0x2000  }
0x1d: {  	[sflag:s2] =	ssyncset.done @!p2 $0x0  }
0x1e: {  	[sflag:s2] =	ssyncadd.s32 @!p2 $0xFFFFE000  }
0x1f: {  	v7 =	vor.u32 @!p2 $0x800, v5;
	v6 =	vld.idx.msk @!p2 [tilespmem:v6+s8+$0x0], $0xffff  }
0x20: {  	v7 =	vor.u32 @!p2 s1, v7;
	_ =	sdelay $0x3  }
0x21: {  	[tilespmem:$0x10480] =	vst @!p2 v6  }
0x22: {  	v6 =	vld.idx.msk @!p2 [tilespmem:v7+s8+$0x0], $0xffff;
	v7 =	vor.u32 @!p2 $0x1000, v5  }
0x23: {  	v7 =	vor.u32 @!p2 s1, v7;
	_ =	sdelay $0x3  }
0x24: {  	[tilespmem:$0x10490] =	vst @!p2 v6  }
0x25: {  	v5 =	vor.u32 @!p2 $0x1800, v5;
	v6 =	vld.idx.msk @!p2 [tilespmem:v7+s8+$0x0], $0xffff  }
0x26: {  	v5 =	vor.u32 @!p2 s1, v5;
	_ =	sdelay $0x3  }
0x27: {  	[tilespmem:$0x104A0] =	vst @!p2 v6  }
0x28: {  	v5 =	vld.idx.msk @!p2 [tilespmem:v5+s8+$0x0], $0xffff;
	_ =	sdelay $0x4  }
0x29: {  	s2 =	simm.s32 @!p4 $0x10480;
	s5 =	rddreg [dreg:$0x5];
	s1 =	simm.s32 @!p4 $0x0;
	[tilespmem:$0x104B0] =	vst @!p2 v5  }
0x2a: {  	[hbm4b:s5+s1] =	stream.linear.scatter @!p4 [tilespmem:s2], [sflag:$0x3], $0x80, $0x38;
	[tilespmem:$0x10880] =	vst v63  }
0x2b: {  	s1 =	simm.s32 @!p4 $0x3  }
0x2c: {  	_ =	swait.ge @!p4 [sflag:s1], $0x80  }
0x2d: {  	[sflag:s1] =	ssyncset.done @!p4 $0x0  }
0x2e: {  	[sflag:s1] =	ssyncadd.s32 @!p4 $0xFFFFFF80  }
0x2f: {  	s2 =	simm.s32 @!p5 $0x10480;
	s1 =	simm.s32 @!p5 $0x0;
	s5 =	rddreg [dreg:$0x4]  }
0x30: {  	[hbm4b:s5+s1] =	stream.linear.scatter @!p5 [tilespmem:s2], [sflag:$0x3], $0x80, $0x38;
	[tilespmem:$0x10880] =	vst v63  }
0x31: {  	s1 =	simm.s32 @!p5 $0x3  }
0x32: {  	_ =	swait.ge @!p5 [sflag:s1], $0x80  }
0x33: {  	[sflag:s1] =	ssyncset.done @!p5 $0x0  }
0x34: {  	[sflag:s1] =	ssyncadd.s32 @!p5 $0xFFFFFF80  }
.LBB2_5:
0x35: {  	s12 =	sadd.s32 $0xFFFFFFFF, s12  }
0x36: {  	p6 =	sne.s32 s12, $0x0  }
.Ltmp1:
0x37: {  	_ = 	snop;
	(pc) =	sbr.rel @!p6 .LBB2_6-.Ltmp1, $1  }
0x38: {  	_ =	sdelay $0x3  }
.LBB2_1:
0x39: {  	[tilespmem:s7], [sflag:$0x3] =	stream.linear.gather [hbm4b:s0+s7], $0x4, $0x38;
	[tilespmem:$0x10880] =	vst v63  }
0x3a: {  	_ =	swait.ge [sflag:s13], $0x4  }
.Ltmp2:
0x3b: {  	[sflag:s13] =	ssyncset.done $0x0;
	(pc) =	sbr.rel @p1 .LBB2_4-.Ltmp2, $2  }
0x3c: {  	[sflag:s13] =	ssyncadd.s32 $0xFFFFFFFC  }
0x3d: {  	v5 =	vld [tilespmem:$0x0];
	_ =	sdelay $0x2  }
0x3e: {  	_ =	sdelay $0x1  }
0x3f: {  	v5 =	vnsel vm0, $0x0, v5  }
0x40: {  	(xrf0) =	vadd.scan.msk.s32 $0xffff, v5;
	_ =	sdelay $0x5  }
0x41: {  	v5, _, _ =	vpop (xrf0)  }
0x42: {  	(v2sf) =	vpush v5, $0xF;
	_ =	sdelay $0xe  }
0x43: {  	s1 =	spop (v2sf)  }
0x44: {  	s2 =	sshll.u32 s1, $0x3  }
0x45: {  	s2 =	sand.u32 $0x7FFFFC00, s2  }
0x46: {  	s2 =	sadd.s32 s9, s2  }
0x47: {  	s24 =	rddreg [dreg:$0x1];
	s1 =	sand.u32 $0x7F, s1;
	s2 =	sshrl.u32 s2, $0x3  }
0x48: {  	v5 =	vmov s1;
	s1 =	sadd.s32 s24, s2  }
0x49: {  	[tilespmem:s14], [sflag:$0x3] =	stream.linear.gather [hbm4b:s1+s7], $0x400, $0x38;
	[tilespmem:$0x10880] =	vst v63  }
0x4a: {  	_ =	swait.ge [sflag:s13], $0x400  }
0x4b: {  	[sflag:s13] =	ssyncset.done $0x0  }
0x4c: {  	[sflag:s13] =	ssyncadd.s32 $0xFFFFFC00  }
0x4d: {  	v6 =	vld.idx.msk [tilespmem:v5+s14+$0x0], $0xffff;
	_ =	sdelay $0x4  }
0x4e: {  	v6 =	vnsel vm1, $0x0, v6  }
0x4f: {  	(xrf0) =	vadd.scan.msk.s32 $0xffff, v6;
	_ =	sdelay $0x5  }
0x50: {  	v6, _, _ =	vpop (xrf0)  }
0x51: {  	(v2sf) =	vpush v6, $0xF;
	_ =	sdelay $0xe  }
0x52: {  	s1 =	spop (v2sf)  }
0x53: {  	p6 =	sgt.s32 s1, $0x0  }
0x54: {  	s1 =	simm.s32 @!p6 $0x0  }
0x55: {  	s22 =	smin.u32 s1, $0x1869F  }
0x56: {  	s1 =	sand.u32 $0x1FF80, s22  }
0x57: {  	s2 =	simm.s32 $0x100;
	s1 =	sadd.s32 s3, s1  }
0x58: {  	[tilespmem:s17], [sflag:$0x1] =	stream.strided.gather [hbm4b:s1+s15], $0x2000, s16, s15, $0x38;
	[tilespmem:$0x10880] =	vst v63  }
0x59: {  	v6 =	vld.idx.msk [tilespmem:v5+s2+$0x0], $0xffff;
	_ =	sdelay $0x4  }
0x5a: {  	v6 =	vnsel vm1, $0x0, v6  }
0x5b: {  	(xrf0) =	vadd.scan.msk.s32 $0xffff, v6;
	_ =	sdelay $0x5  }
0x5c: {  	v6, _, _ =	vpop (xrf0)  }
0x5d: {  	(v2sf) =	vpush v6, $0xF;
	_ =	sdelay $0xe  }
0x5e: {  	s1 =	spop (v2sf)  }
0x5f: {  	p6 =	sgt.s32 s1, $0x0  }
0x60: {  	s1 =	simm.s32 @!p6 $0x0  }
0x61: {  	s20 =	smin.u32 s1, $0x1869F  }
0x62: {  	s1 =	sand.u32 $0x1FF80, s20  }
0x63: {  	s5 =	simm.s32 $0x180;
	s1 =	sadd.s32 s3, s1  }
0x64: {  	[tilespmem:s19], [sflag:$0x1] =	stream.strided.gather [hbm4b:s1+s15], $0x2000, s16, s15, $0x38;
	[tilespmem:$0x10880] =	vst v63  }
0x65: {  	v6 =	vld.idx.msk [tilespmem:v5+s5+$0x0], $0xffff;
	_ =	sdelay $0x4  }
0x66: {  	v6 =	vnsel vm1, $0x0, v6  }
0x67: {  	(xrf0) =	vadd.scan.msk.s32 $0xffff, v6;
	_ =	sdelay $0x5  }
0x68: {  	v6, _, _ =	vpop (xrf0)  }
0x69: {  	(v2sf) =	vpush v6, $0xF;
	_ =	sdelay $0xe  }
0x6a: {  	s1 =	spop (v2sf)  }
0x6b: {  	p6 =	sgt.s32 s1, $0x0  }
0x6c: {  	s1 =	simm.s32 @!p6 $0x0  }
0x6d: {  	s18 =	smin.u32 s1, $0x1869F  }
0x6e: {  	s1 =	sand.u32 $0x1FF80, s18  }
0x6f: {  	s6 =	simm.s32 $0x200;
	s1 =	sadd.s32 s3, s1  }
0x70: {  	[tilespmem:s21], [sflag:$0x1] =	stream.strided.gather [hbm4b:s1+s15], $0x2000, s16, s15, $0x38;
	[tilespmem:$0x10880] =	vst v63  }
0x71: {  	v6 =	vld.idx.msk [tilespmem:v5+s6+$0x0], $0xffff;
	_ =	sdelay $0x4  }
0x72: {  	v6 =	vnsel vm1, $0x0, v6  }
0x73: {  	(xrf0) =	vadd.scan.msk.s32 $0xffff, v6;
	_ =	sdelay $0x5  }
0x74: {  	v6, _, _ =	vpop (xrf0)  }
0x75: {  	(v2sf) =	vpush v6, $0xF;
	_ =	sdelay $0xe  }
0x76: {  	s1 =	spop (v2sf)  }
0x77: {  	p6 =	sgt.s32 s1, $0x0  }
0x78: {  	s1 =	simm.s32 @!p6 $0x0  }
0x79: {  	s6 =	smin.u32 s1, $0x1869F  }
0x7a: {  	s1 =	sand.u32 $0x1FF80, s6  }
0x7b: {  	s8 =	simm.s32 $0x280;
	s1 =	sadd.s32 s3, s1  }
0x7c: {  	[tilespmem:s23], [sflag:$0x1] =	stream.strided.gather [hbm4b:s1+s15], $0x2000, s16, s15, $0x38;
	[tilespmem:$0x10880] =	vst v63  }
0x7d: {  	v6 =	vld.idx.msk [tilespmem:v5+s8+$0x0], $0xffff;
	_ =	sdelay $0x4  }
0x7e: {  	v6 =	vnsel vm1, $0x0, v6  }
0x7f: {  	(xrf0) =	vadd.scan.msk.s32 $0xffff, v6;
	_ =	sdelay $0x5  }
0x80: {  	v6, _, _ =	vpop (xrf0)  }
0x81: {  	(v2sf) =	vpush v6, $0xF;
	_ =	sdelay $0xe  }
0x82: {  	s1 =	spop (v2sf)  }
0x83: {  	p6 =	sgt.s32 s1, $0x0  }
0x84: {  	s1 =	simm.s32 @!p6 $0x0  }
0x85: {  	s5 =	smin.u32 s1, $0x1869F  }
0x86: {  	s1 =	sand.u32 $0x1FF80, s5  }
0x87: {  	s1 =	sadd.s32 s3, s1  }
0x88: {  	[tilespmem:s25], [sflag:$0x1] =	stream.strided.gather [hbm4b:s1+s15], $0x2000, s16, s15, $0x38;
	[tilespmem:$0x10880] =	vst v63  }
0x89: {  	v6 =	vld.idx.msk [tilespmem:v5+s26+$0x0], $0xffff;
	_ =	sdelay $0x4  }
0x8a: {  	v6 =	vnsel vm1, $0x0, v6  }
0x8b: {  	(xrf0) =	vadd.scan.msk.s32 $0xffff, v6;
	_ =	sdelay $0x5  }
0x8c: {  	v6, _, _ =	vpop (xrf0)  }
0x8d: {  	(v2sf) =	vpush v6, $0xF;
	_ =	sdelay $0xe  }
0x8e: {  	s1 =	spop (v2sf)  }
0x8f: {  	p6 =	sgt.s32 s1, $0x0  }
0x90: {  	s1 =	simm.s32 @!p6 $0x0  }
0x91: {  	s2 =	smin.u32 s1, $0x1869F  }
0x92: {  	s1 =	sand.u32 $0x1FF80, s2  }
0x93: {  	s1 =	sadd.s32 s3, s1  }
0x94: {  	[tilespmem:s28], [sflag:$0x1] =	stream.strided.gather [hbm4b:s1+s15], $0x2000, s16, s15, $0x38;
	[tilespmem:$0x10880] =	vst v63  }
0x95: {  	v6 =	vld.idx.msk [tilespmem:v5+s29+$0x0], $0xffff;
	_ =	sdelay $0x4  }
0x96: {  	v6 =	vnsel vm1, $0x0, v6  }
0x97: {  	(xrf0) =	vadd.scan.msk.s32 $0xffff, v6;
	_ =	sdelay $0x5  }
0x98: {  	v6, _, _ =	vpop (xrf0)  }
0x99: {  	(v2sf) =	vpush v6, $0xF;
	_ =	sdelay $0xe  }
0x9a: {  	s1 =	spop (v2sf)  }
0x9b: {  	p6 =	sgt.s32 s1, $0x0  }
0x9c: {  	s1 =	simm.s32 @!p6 $0x0  }
0x9d: {  	s1 =	smin.u32 s1, $0x1869F  }
0x9e: {  	s8 =	sand.u32 $0x1FF80, s1  }
0x9f: {  	s8 =	sadd.s32 s3, s8  }
0xa0: {  	[tilespmem:s30], [sflag:$0x1] =	stream.strided.gather [hbm4b:s8+s15], $0x2000, s16, s15, $0x38;
	[tilespmem:$0x10880] =	vst v63  }
0xa1: {  	v5 =	vld.idx.msk [tilespmem:v5+s15+$0x0], $0xffff;
	_ =	sdelay $0x4  }
0xa2: {  	v5 =	vnsel vm1, $0x0, v5  }
0xa3: {  	(xrf0) =	vadd.scan.msk.s32 $0xffff, v5;
	_ =	sdelay $0x5  }
0xa4: {  	v5, _, _ =	vpop (xrf0)  }
0xa5: {  	(v2sf) =	vpush v5, $0xF;
	_ =	sdelay $0xe  }
0xa6: {  	s8 =	spop (v2sf)  }
0xa7: {  	p6 =	sgt.s32 s8, $0x0  }
0xa8: {  	s8 =	simm.s32 @!p6 $0x0  }
0xa9: {  	s8 =	smin.u32 s8, $0x1869F  }
0xaa: {  	s22 =	sand.u32 $0x7F, s22;
	s24 =	sand.u32 $0x1FF80, s8  }
0xab: {  	v5 =	vor.u32 s22, v0;
	s24 =	sadd.s32 s3, s24  }
0xac: {  	[tilespmem:s31], [sflag:$0x1] =	stream.strided.gather [hbm4b:s24+s15], $0x2000, s16, s15, $0x38;
	[tilespmem:$0x10880] =	vst v63  }
0xad: {  	_ =	swait.ge [sflag:s4], $0x2000  }
0xae: {  	[sflag:s4] =	ssyncset.done $0x0  }
0xaf: {  	[sflag:s4] =	ssyncadd.s32 $0xFFFFE000  }
0xb0: {  	v5 =	vld.idx.msk [tilespmem:v5+s17+$0x0], $0xffff  }
0xb1: {  	v6 =	vor.u32 s22, v2;
	_ =	sdelay $0x3  }
0xb2: {  	[tilespmem:$0x10480] =	vst v5  }
0xb3: {  	v5 =	vld.idx.msk [tilespmem:v6+s17+$0x0], $0xffff  }
0xb4: {  	v6 =	vor.u32 s22, v3;
	_ =	sdelay $0x3  }
0xb5: {  	[tilespmem:$0x10490] =	vst v5  }
0xb6: {  	v5 =	vld.idx.msk [tilespmem:v6+s17+$0x0], $0xffff  }
0xb7: {  	v6 =	vor.u32 s22, v4;
	_ =	sdelay $0x3  }
0xb8: {  	[tilespmem:$0x104A0] =	vst v5  }
0xb9: {  	v5 =	vld.idx.msk [tilespmem:v6+s17+$0x0], $0xffff;
	_ =	sdelay $0x2  }
0xba: {  	s20 =	sand.u32 $0x7F, s20  }
0xbb: {  	v6 =	vor.u32 s20, v0  }
0xbc: {  	[tilespmem:$0x104B0] =	vst v5  }
0xbd: {  	_ =	swait.ge [sflag:s4], $0x2000  }
0xbe: {  	[sflag:s4] =	ssyncset.done $0x0  }
0xbf: {  	[sflag:s4] =	ssyncadd.s32 $0xFFFFE000  }
0xc0: {  	v5 =	vld.idx.msk [tilespmem:v6+s19+$0x0], $0xffff  }
0xc1: {  	v6 =	vor.u32 s20, v2;
	_ =	sdelay $0x3  }
0xc2: {  	[tilespmem:$0x10500] =	vst v5  }
0xc3: {  	v5 =	vld.idx.msk [tilespmem:v6+s19+$0x0], $0xffff  }
0xc4: {  	v6 =	vor.u32 s20, v3;
	_ =	sdelay $0x3  }
0xc5: {  	[tilespmem:$0x10510] =	vst v5  }
0xc6: {  	v5 =	vld.idx.msk [tilespmem:v6+s19+$0x0], $0xffff  }
0xc7: {  	v6 =	vor.u32 s20, v4;
	_ =	sdelay $0x3  }
0xc8: {  	[tilespmem:$0x10520] =	vst v5  }
0xc9: {  	v5 =	vld.idx.msk [tilespmem:v6+s19+$0x0], $0xffff;
	_ =	sdelay $0x2  }
0xca: {  	s18 =	sand.u32 $0x7F, s18  }
0xcb: {  	v6 =	vor.u32 s18, v0  }
0xcc: {  	[tilespmem:$0x10530] =	vst v5  }
0xcd: {  	_ =	swait.ge [sflag:s4], $0x2000  }
0xce: {  	[sflag:s4] =	ssyncset.done $0x0  }
0xcf: {  	[sflag:s4] =	ssyncadd.s32 $0xFFFFE000  }
0xd0: {  	v5 =	vld.idx.msk [tilespmem:v6+s21+$0x0], $0xffff  }
0xd1: {  	v6 =	vor.u32 s18, v2;
	_ =	sdelay $0x3  }
0xd2: {  	[tilespmem:$0x10580] =	vst v5  }
0xd3: {  	v5 =	vld.idx.msk [tilespmem:v6+s21+$0x0], $0xffff  }
0xd4: {  	v6 =	vor.u32 s18, v3;
	_ =	sdelay $0x3  }
0xd5: {  	[tilespmem:$0x10590] =	vst v5  }
0xd6: {  	v5 =	vld.idx.msk [tilespmem:v6+s21+$0x0], $0xffff  }
0xd7: {  	v6 =	vor.u32 s18, v4;
	_ =	sdelay $0x3  }
0xd8: {  	[tilespmem:$0x105A0] =	vst v5  }
0xd9: {  	v5 =	vld.idx.msk [tilespmem:v6+s21+$0x0], $0xffff;
	_ =	sdelay $0x2  }
0xda: {  	s6 =	sand.u32 $0x7F, s6  }
0xdb: {  	v6 =	vor.u32 s6, v0  }
0xdc: {  	[tilespmem:$0x105B0] =	vst v5  }
0xdd: {  	_ =	swait.ge [sflag:s4], $0x2000  }
0xde: {  	[sflag:s4] =	ssyncset.done $0x0  }
0xdf: {  	[sflag:s4] =	ssyncadd.s32 $0xFFFFE000  }
0xe0: {  	v5 =	vld.idx.msk [tilespmem:v6+s23+$0x0], $0xffff  }
0xe1: {  	v6 =	vor.u32 s6, v2;
	_ =	sdelay $0x3  }
0xe2: {  	[tilespmem:$0x10600] =	vst v5  }
0xe3: {  	v5 =	vld.idx.msk [tilespmem:v6+s23+$0x0], $0xffff  }
0xe4: {  	v6 =	vor.u32 s6, v3;
	_ =	sdelay $0x3  }
0xe5: {  	[tilespmem:$0x10610] =	vst v5  }
0xe6: {  	v5 =	vld.idx.msk [tilespmem:v6+s23+$0x0], $0xffff  }
0xe7: {  	v6 =	vor.u32 s6, v4;
	_ =	sdelay $0x3  }
0xe8: {  	[tilespmem:$0x10620] =	vst v5  }
0xe9: {  	v5 =	vld.idx.msk [tilespmem:v6+s23+$0x0], $0xffff;
	_ =	sdelay $0x2  }
0xea: {  	s5 =	sand.u32 $0x7F, s5  }
0xeb: {  	v6 =	vor.u32 s5, v0  }
0xec: {  	[tilespmem:$0x10630] =	vst v5  }
0xed: {  	_ =	swait.ge [sflag:s4], $0x2000  }
0xee: {  	[sflag:s4] =	ssyncset.done $0x0  }
0xef: {  	[sflag:s4] =	ssyncadd.s32 $0xFFFFE000  }
0xf0: {  	v5 =	vld.idx.msk [tilespmem:v6+s25+$0x0], $0xffff  }
0xf1: {  	v6 =	vor.u32 s5, v2;
	_ =	sdelay $0x3  }
0xf2: {  	[tilespmem:$0x10680] =	vst v5  }
0xf3: {  	v5 =	vld.idx.msk [tilespmem:v6+s25+$0x0], $0xffff  }
0xf4: {  	v6 =	vor.u32 s5, v3;
	_ =	sdelay $0x3  }
0xf5: {  	[tilespmem:$0x10690] =	vst v5  }
0xf6: {  	v5 =	vld.idx.msk [tilespmem:v6+s25+$0x0], $0xffff  }
0xf7: {  	v6 =	vor.u32 s5, v4;
	_ =	sdelay $0x3  }
0xf8: {  	[tilespmem:$0x106A0] =	vst v5  }
0xf9: {  	v5 =	vld.idx.msk [tilespmem:v6+s25+$0x0], $0xffff;
	_ =	sdelay $0x2  }
0xfa: {  	s2 =	sand.u32 $0x7F, s2  }
0xfb: {  	v6 =	vor.u32 s2, v0  }
0xfc: {  	[tilespmem:$0x106B0] =	vst v5  }
0xfd: {  	_ =	swait.ge [sflag:s4], $0x2000  }
0xfe: {  	[sflag:s4] =	ssyncset.done $0x0  }
0xff: {  	[sflag:s4] =	ssyncadd.s32 $0xFFFFE000  }
0x100: {  	v5 =	vld.idx.msk [tilespmem:v6+s28+$0x0], $0xffff  }
0x101: {  	v6 =	vor.u32 s2, v2;
	_ =	sdelay $0x3  }
0x102: {  	[tilespmem:$0x10700] =	vst v5  }
0x103: {  	v5 =	vld.idx.msk [tilespmem:v6+s28+$0x0], $0xffff  }
0x104: {  	v6 =	vor.u32 s2, v3;
	_ =	sdelay $0x3  }
0x105: {  	[tilespmem:$0x10710] =	vst v5  }
0x106: {  	v5 =	vld.idx.msk [tilespmem:v6+s28+$0x0], $0xffff  }
0x107: {  	v6 =	vor.u32 s2, v4;
	_ =	sdelay $0x3  }
0x108: {  	[tilespmem:$0x10720] =	vst v5  }
0x109: {  	v5 =	vld.idx.msk [tilespmem:v6+s28+$0x0], $0xffff;
	_ =	sdelay $0x2  }
0x10a: {  	s1 =	sand.u32 $0x7F, s1  }
0x10b: {  	v6 =	vor.u32 s1, v0  }
0x10c: {  	[tilespmem:$0x10730] =	vst v5  }
0x10d: {  	_ =	swait.ge [sflag:s4], $0x2000  }
0x10e: {  	[sflag:s4] =	ssyncset.done $0x0  }
0x10f: {  	[sflag:s4] =	ssyncadd.s32 $0xFFFFE000  }
0x110: {  	v5 =	vld.idx.msk [tilespmem:v6+s30+$0x0], $0xffff  }
0x111: {  	v6 =	vor.u32 s1, v2;
	_ =	sdelay $0x3  }
0x112: {  	[tilespmem:$0x10780] =	vst v5  }
0x113: {  	v5 =	vld.idx.msk [tilespmem:v6+s30+$0x0], $0xffff  }
0x114: {  	v6 =	vor.u32 s1, v3;
	_ =	sdelay $0x3  }
0x115: {  	[tilespmem:$0x10790] =	vst v5  }
0x116: {  	v5 =	vld.idx.msk [tilespmem:v6+s30+$0x0], $0xffff  }
0x117: {  	v6 =	vor.u32 s1, v4;
	_ =	sdelay $0x3  }
0x118: {  	[tilespmem:$0x107A0] =	vst v5  }
0x119: {  	v5 =	vld.idx.msk [tilespmem:v6+s30+$0x0], $0xffff;
	_ =	sdelay $0x2  }
0x11a: {  	s24 =	sand.u32 $0x7F, s8  }
0x11b: {  	v6 =	vor.u32 s24, v0  }
0x11c: {  	[tilespmem:$0x107B0] =	vst v5  }
0x11d: {  	_ =	swait.ge [sflag:s4], $0x2000  }
0x11e: {  	[sflag:s4] =	ssyncset.done $0x0  }
0x11f: {  	[sflag:s4] =	ssyncadd.s32 $0xFFFFE000  }
0x120: {  	v5 =	vld.idx.msk [tilespmem:v6+s31+$0x0], $0xffff  }
0x121: {  	v6 =	vor.u32 s24, v2;
	_ =	sdelay $0x3  }
0x122: {  	[tilespmem:$0x10800] =	vst v5  }
0x123: {  	v5 =	vld.idx.msk [tilespmem:v6+s31+$0x0], $0xffff  }
0x124: {  	v6 =	vor.u32 s24, v3;
	_ =	sdelay $0x3  }
0x125: {  	[tilespmem:$0x10810] =	vst v5  }
0x126: {  	v5 =	vld.idx.msk [tilespmem:v6+s31+$0x0], $0xffff  }
0x127: {  	v6 =	vor.u32 s24, v4;
	_ =	sdelay $0x3  }
0x128: {  	[tilespmem:$0x10820] =	vst v5  }
0x129: {  	v5 =	vld.idx.msk [tilespmem:v6+s31+$0x0], $0xffff;
	_ =	sdelay $0x4  }
0x12a: {  	s2 =	simm.s32 @!p0 $0x10480;
	s1 =	simm.s32 @!p0 $0x0;
	[tilespmem:$0x10830] =	vst v5  }
0x12b: {  	[hbm4b:s10+s1] =	stream.linear.scatter @!p0 [tilespmem:s2], [sflag:$0x3], $0x400, $0x38;
	[tilespmem:$0x10880] =	vst v63  }
.Ltmp3:
0x12c: {  	_ = 	snop;
	(pc) =	sbr.rel @!p3 .LBB2_5-.Ltmp3, $4  }
0x12d: {  	s1 =	simm.s32 @!p0 $0x3  }
0x12e: {  	_ =	swait.ge @!p0 [sflag:s1], $0x400  }
0x12f: {  	[sflag:s1] =	ssyncset.done @!p0 $0x0  }
0x130: {  	[sflag:s1] =	ssyncadd.s32 @!p0 $0xFFFFFC00  }
.Ltmp4:
0x131: {  	s1 =	simm.s32 $0x10480;
	(pc) =	sbr.rel .LBB2_5-.Ltmp4, $4  }
0x132: {  	[hbm4b:s11+s7] =	stream.linear.scatter [tilespmem:s1], [sflag:$0x3], $0x400, $0x38;
	[tilespmem:$0x10880] =	vst v63  }
0x133: {  	_ =	swait.ge [sflag:s13], $0x400  }
0x134: {  	[sflag:s13] =	ssyncset.done $0x0  }
0x135: {  	[sflag:s13] =	ssyncadd.s32 $0xFFFFFC00  }
.LBB2_6:
0x136: {  	_ =	sfence.sel $0x180000  }
0x137: {  	[bflag:$0x0] =	sbarrier.arrive $0xFFFF  }
0x138: {  	_ =	strace $0x90000047  }
0x139: {  	s0 =	stileid.u32;
	[bflag:$0x2] =	sbarrier.arrive $0xFFFF  }
0x13a: {  	p0 =	sne.s32 s0, $0x0;
	s0 =	rddreg [dreg:$0x8]  }
0x13b: {  	s0 =	sadd.s32 @!p0 $0x100000, s0  }
0x13c: {  	[sflag:s0] =	ssyncadd.tile.s32 @!p0 $0x1;
	_ =	shalt  }
.Lfunc_end2:
_tile_overlayer_lowered:
.L_overlay_start_2:
0x13d: {  	(tag) =	ssettag $0x2  }
0x13e: {  	s0 =	rddreg [dreg:$0x0];
	s2 =	stileid.u32  }
0x13f: {  	s1 =	rddreg [dreg:$0x1];
	p0 =	sne.s32 s2, $0x0  }
0x140: {  	s3 =	rddreg [dreg:$0x2];
	[bflag:$0x3] =	sbarrier.arrive $0xFFFF;
	s2 =	simm.s32 @!p0 $0x1C03  }
0x141: {  	[timem:s3], [sflag:s2] =	dma.local @!p0 [hbm:s0], s1  }
0x142: {  	s0 =	simm.s32 @!p0 $0x3  }
0x143: {  	_ =	swait.ge @!p0 [sflag:s0], s1  }
0x144: {  	s1 =	ssub.s32 @!p0 $0x0, s1;
	[sflag:s0] =	ssyncset.done @!p0 $0x0  }
0x145: {  	[sflag:s0] =	ssyncadd.s32 @!p0 s1  }
0x146: {  	[bflag:$0x3] =	sbarrier.arrive $0xFFFF  }
0x147: {  	_ =	shalt  }

</sc_bundles>
